<compile_context>
chip_gen: v7x
topology: tpu7x:2x2x1
jax: 0.10.2.dev20260603
libtpu: 0.0.44.dev20260713+nightly
codegen_flags: <defaults>
</compile_context>

<pallas_src>
import functools

import jax
import jax.numpy as jnp
from jax import lax
from jax.experimental import pallas as pl
from jax.experimental.pallas import tpu as pltpu
from jax.experimental.pallas import tpu_sc as plsc

K = 1024
D = 64
N = 32 * 576
BETA = 0.25

ROWS_OUTER = 4
R = ROWS_OUTER * 576
NB = N // R
NLANE = 128
NROW_SUB = R // NLANE
NCOL = K // NLANE

_NC = 2
_NS = 16
_NW = _NC * _NS
NUNIT = N // NLANE
BASE_UNITS = 4


def _dist_argmin_body(f_ref, b_ref, cb2_ref, idx_ref, loss_ref):
    i = pl.program_id(0)
    f = f_ref[...].reshape(R, D)
    mm2 = lax.dot_general(
        f, cb2_ref[...], (((1,), (1,)), ((), ())),
        preferred_element_type=jnp.float32)
    a = jnp.sum(f ** 2, axis=1, keepdims=True)
    b = b_ref[...]

    def col(k):
        lo, hi = k * NLANE, (k + 1) * NLANE
        return (a + b[:, lo:hi]) - mm2[:, lo:hi]

    cur = col(0)
    curk = jnp.zeros(cur.shape, jnp.int32)
    for k in range(1, NCOL):
        d = col(k)
        lt = d < cur
        cur = jnp.where(lt, d, cur)
        curk = jnp.where(lt, k, curk)

    rowmin = jnp.min(cur, axis=1, keepdims=True)
    lane = lax.broadcasted_iota(jnp.int32, cur.shape, 1)
    j = curk * NLANE + lane
    cand = jnp.where(cur == rowmin, j, K)
    idx = jnp.min(cand, axis=1, keepdims=True)
    idx_ref[...] = idx.reshape(1, NROW_SUB, NLANE)

    @pl.when(i == 0)
    def _init():
        loss_ref[0, 0] = 0.0

    loss_ref[0, 0] += jnp.sum(rowmin)


_dist_argmin = pl.pallas_call(
    _dist_argmin_body,
    grid=(NB,),
    in_specs=[
        pl.BlockSpec((ROWS_OUTER, 576, D), lambda i: (i, 0, 0)),
        pl.BlockSpec((1, K), lambda i: (0, 0)),
        pl.BlockSpec((K, D), lambda i: (0, 0)),
    ],
    out_specs=[
        pl.BlockSpec((1, NROW_SUB, NLANE), lambda i: (i, 0, 0)),
        pl.BlockSpec(memory_space=pltpu.SMEM),
    ],
    out_shape=[
        jax.ShapeDtypeStruct((NB, NROW_SUB, NLANE), jnp.int32),
        jax.ShapeDtypeStruct((1, 1), jnp.float32),
    ],
)


def _gather_body(cb_hbm, idx_hbm, out_hbm, idx_v, rows_v, sem, sem2):
    c = lax.axis_index("c")
    s = lax.axis_index("s")
    w = s * _NC + c
    extra_unit = _NW * BASE_UNITS + (w % 16)

    units = [w * BASE_UNITS + i for i in range(BASE_UNITS)] + [extra_unit]
    idx_copies = [
        pltpu.async_copy(idx_hbm.at[u // NROW_SUB, u % NROW_SUB],
                         idx_v.at[i], sem2)
        for i, u in enumerate(units)
    ]
    for cp in idx_copies:
        cp.wait()
    copies = [
        pltpu.async_copy(cb_hbm.at[idx_v.at[i]],
                         rows_v.at[pl.ds(i * NLANE, NLANE)], sem)
        for i in range(BASE_UNITS + 1)
    ]
    for cp in copies:
        cp.wait()
    main = pltpu.async_copy(rows_v.at[pl.ds(0, BASE_UNITS * NLANE)],
                            out_hbm.at[pl.ds(w * BASE_UNITS * NLANE,
                                             BASE_UNITS * NLANE)], sem2)
    main.wait()

    @pl.when(w < 16)
    def _writeback_extra():
        pltpu.sync_copy(rows_v.at[pl.ds(BASE_UNITS * NLANE, NLANE)],
                        out_hbm.at[pl.ds(extra_unit * NLANE, NLANE)])


@functools.cache
def _make_gather():
    return pl.kernel(
        _gather_body,
        out_type=jax.ShapeDtypeStruct((N, 2 * D), jnp.float32),
        mesh=plsc.VectorSubcoreMesh(core_axis_name="c", subcore_axis_name="s",
                                    num_cores=_NC, num_subcores=_NS),
        scratch_types=[
            pltpu.VMEM((BASE_UNITS + 1, NLANE), jnp.int32),
            pltpu.VMEM(((BASE_UNITS + 1) * NLANE, 2 * D), jnp.float32),
            pltpu.SemaphoreType.DMA,
            pltpu.SemaphoreType.DMA,
        ],
        compiler_params=pltpu.CompilerParams(use_tc_tiling_on_sc=True),
    )


def kernel(latents, codebook):
    b = jnp.sum(codebook ** 2, axis=1).reshape(1, K)
    cb2 = codebook * 2.0
    idx2d, loss_sum = _dist_argmin(latents, b, cb2)
    cb_pad = jnp.concatenate([codebook, jnp.zeros((K, D), jnp.float32)], axis=1)
    quantized = _make_gather()(cb_pad, idx2d)[:, :D]
    mse = loss_sum[0, 0] / (N * D)
    vq_loss = mse * BETA + mse
    quantized_st = quantized.reshape(latents.shape)
    return quantized_st, vq_loss

# --- scband reference (transcript-rebuilt; emitter-appended) ---
"""Pipeline reference for scband-vector-quantizer-41455024341497 (READ-ONLY COPY).

The authoritative reference and input builder live on the scoring server;
editing this copy changes nothing except your own understanding.
"""

import jax, jax.numpy as jnp
import numpy as np

K = 1024
D = 64
BETA = 0.25

def setup_inputs(seed: int = 0) -> dict:
    key = jax.random.key(seed)
    k1, k2 = jax.random.split(key)
    latents = jax.random.normal(k1, (32, 576, 64), dtype=jnp.float32)
    codebook = jax.random.uniform(k2, (K, D), dtype=jnp.float32, minval=-1.0 / K, maxval=1.0 / K)
    return {"latents": latents, "codebook": codebook}

def reference(latents, codebook):
    encodings_shape = latents.shape[:-1]
    flat = latents.reshape(-1, D)
    dist = (jnp.sum(flat ** 2, axis=1, keepdims=True)
            + jnp.sum(codebook ** 2, axis=1)
            - 2.0 * jnp.matmul(flat, codebook.T))
    encoding_inds = jnp.argmin(dist, axis=1)
    quantized = jnp.take(codebook, encoding_inds, axis=0).reshape(latents.shape)
    commitment_loss = jnp.mean((jax.lax.stop_gradient(quantized) - latents) ** 2)
    embedding_loss = jnp.mean((quantized - jax.lax.stop_gradient(latents)) ** 2)
    vq_loss = commitment_loss * BETA + embedding_loss
    quantized_st = latents + jax.lax.stop_gradient(quantized - latents)
    return (quantized_st, vq_loss)

if __name__ == "__main__":
    import jax
    _d = setup_inputs()
    print(jax.jit(kernel)(*tuple(_d.values())))

</pallas_src>

<mosaic_0001>
#map = affine_map<(d0, d1) -> (0, 0)>
#map1 = affine_map<(d0, d1) -> (0, 0, 0)>
module attributes {stable_mosaic.version = 14 : i64} {
  func.func @_gather_body(%arg0: i32, %arg1: i32, %arg2: memref<1024x128xf32, #tpu.memory_space<hbm>>, %arg3: memref<8x18x128xi32, #tpu.memory_space<hbm>>, %arg4: memref<18432x128xf32, #tpu.memory_space<hbm>>, %arg5: memref<5x128xi32, #tpu.memory_space<vmem>>, %arg6: memref<640x128xf32, #tpu.memory_space<vmem>>, %arg7: memref<!tpu.dma_semaphore, #tpu.memory_space<semaphore_mem>>, %arg8: memref<!tpu.dma_semaphore, #tpu.memory_space<semaphore_mem>>) attributes {dimension_semantics = [#tpu.dimension_semantics<core_parallel>, #tpu.dimension_semantics<subcore_parallel>], iteration_bounds = array<i64: 2, 16>, scalar_prefetch = 0 : i64, scratch_operands = 4 : i64, tpu.core_type = #tpu.core_type<sc_vector_subcore>, window_params = [{transform_indices = #map}, {transform_indices = #map1}, {transform_indices = #map}]} {
    %mul3A = arith.constant 2 : i32
    %mul3A_0 = arith.muli %arg1, %mul3A : i32
    %add3A = arith.addi %mul3A_0, %arg0 : i32
    %jit3A = arith.constant 16 : i32
    %eq3A = arith.constant 0 : i32
    %eq3A_1 = arith.cmpi eq, %jit3A, %eq3A : i32
    %jit3A_2 = arith.constant 1 : i32
    %select_n3A = arith.select %eq3A_1, %jit3A_2, %jit3A : i32
    %rem3A = arith.remsi %add3A, %select_n3A : i32
    %ne3A = arith.constant 0 : i32
    %ne3A_3 = arith.cmpi ne, %rem3A, %ne3A : i32
    %lt3A = arith.constant 0 : i32
    %lt3A_4 = arith.cmpi slt, %rem3A, %lt3A : i32
    %lt3A_5 = arith.constant 0 : i32
    %lt3A_6 = arith.cmpi slt, %select_n3A, %lt3A_5 : i32
    %ne3A_7 = arith.xori %lt3A_4, %lt3A_6 : i1
    %and3A = arith.andi %ne3A_7, %ne3A_3 : i1
    %add3A_8 = arith.addi %rem3A, %select_n3A : i32
    %select_n3A_9 = arith.select %and3A, %add3A_8, %rem3A : i32
    %add3A_10 = arith.constant 128 : i32
    %add3A_11 = arith.addi %add3A_10, %select_n3A_9 : i32
    %mul3A_12 = arith.constant 4 : i32
    %mul3A_13 = arith.muli %add3A, %mul3A_12 : i32
    %add3A_14 = arith.constant 0 : i32
    %add3A_15 = arith.addi %mul3A_13, %add3A_14 : i32
    %mul3A_16 = arith.constant 4 : i32
    %mul3A_17 = arith.muli %add3A, %mul3A_16 : i32
    %add3A_18 = arith.constant 1 : i32
    %add3A_19 = arith.addi %mul3A_17, %add3A_18 : i32
    %mul3A_20 = arith.constant 4 : i32
    %mul3A_21 = arith.muli %add3A, %mul3A_20 : i32
    %add3A_22 = arith.constant 2 : i32
    %add3A_23 = arith.addi %mul3A_21, %add3A_22 : i32
    %mul3A_24 = arith.constant 4 : i32
    %mul3A_25 = arith.muli %add3A, %mul3A_24 : i32
    %add3A_26 = arith.constant 3 : i32
    %add3A_27 = arith.addi %mul3A_25, %add3A_26 : i32
    %jit3A_28 = arith.constant 18 : i32
    %div3A = arith.divsi %add3A_15, %jit3A_28 : i32
    %sign3A = arith.constant 0 : i32
    %sign3A_29 = arith.cmpi sgt, %add3A_15, %sign3A : i32
    %sign3A_30 = arith.extui %sign3A_29 : i1 to i32
    %sign3A_31 = arith.constant 0 : i32
    %sign3A_32 = arith.cmpi slt, %add3A_15, %sign3A_31 : i32
    %sign3A_33 = arith.extui %sign3A_32 : i1 to i32
    %sign3A_34 = arith.subi %sign3A_30, %sign3A_33 : i32
    %sign3A_35 = arith.constant 0 : i32
    %sign3A_36 = arith.cmpi sgt, %jit3A_28, %sign3A_35 : i32
    %sign3A_37 = arith.extui %sign3A_36 : i1 to i32
    %sign3A_38 = arith.constant 0 : i32
    %sign3A_39 = arith.cmpi slt, %jit3A_28, %sign3A_38 : i32
    %sign3A_40 = arith.extui %sign3A_39 : i1 to i32
    %sign3A_41 = arith.subi %sign3A_37, %sign3A_40 : i32
    %ne3A_42 = arith.cmpi ne, %sign3A_34, %sign3A_41 : i32
    %rem3A_43 = arith.remsi %add3A_15, %jit3A_28 : i32
    %ne3A_44 = arith.constant 0 : i32
    %ne3A_45 = arith.cmpi ne, %rem3A_43, %ne3A_44 : i32
    %and3A_46 = arith.andi %ne3A_42, %ne3A_45 : i1
    %sub3A = arith.constant 1 : i32
    %sub3A_47 = arith.subi %div3A, %sub3A : i32
    %select_n3A_48 = arith.select %and3A_46, %sub3A_47, %div3A : i32
    %jit3A_49 = arith.constant 18 : i32
    %eq3A_50 = arith.constant 0 : i32
    %eq3A_51 = arith.cmpi eq, %jit3A_49, %eq3A_50 : i32
    %jit3A_52 = arith.constant 1 : i32
    %select_n3A_53 = arith.select %eq3A_51, %jit3A_52, %jit3A_49 : i32
    %rem3A_54 = arith.remsi %add3A_15, %select_n3A_53 : i32
    %ne3A_55 = arith.constant 0 : i32
    %ne3A_56 = arith.cmpi ne, %rem3A_54, %ne3A_55 : i32
    %lt3A_57 = arith.constant 0 : i32
    %lt3A_58 = arith.cmpi slt, %rem3A_54, %lt3A_57 : i32
    %lt3A_59 = arith.constant 0 : i32
    %lt3A_60 = arith.cmpi slt, %select_n3A_53, %lt3A_59 : i32
    %ne3A_61 = arith.xori %lt3A_58, %lt3A_60 : i1
    %and3A_62 = arith.andi %ne3A_61, %ne3A_56 : i1
    %add3A_63 = arith.addi %rem3A_54, %select_n3A_53 : i32
    %select_n3A_64 = arith.select %and3A_62, %add3A_63, %rem3A_54 : i32
    %dma_start3A = arith.constant 0 : i32
    %dma_start3A_65 = arith.constant 0 : i32
    %dma_start3A_66 = tpu.memref_slice %arg5[%dma_start3A, %dma_start3A_65] : memref<5x128xi32, #tpu.memory_space<vmem>> -> memref<1x128xi32, #tpu.memory_space<vmem>>
    %dma_start3A_67 = tpu.memref_squeeze %dma_start3A_66 : memref<1x128xi32, #tpu.memory_space<vmem>> -> memref<128xi32, #tpu.memory_space<vmem>>
    %dma_start3A_68 = arith.constant 0 : i32
    %dma_start3A_69 = tpu.memref_slice %arg3[%select_n3A_48, %select_n3A_64, %dma_start3A_68] : memref<8x18x128xi32, #tpu.memory_space<hbm>> -> memref<1x1x128xi32, #tpu.memory_space<hbm>>
    %dma_start3A_70 = tpu.memref_squeeze %dma_start3A_69 : memref<1x1x128xi32, #tpu.memory_space<hbm>> -> memref<128xi32, #tpu.memory_space<hbm>>
    %dma_start3A_71 = arith.constant 0 : i32
    %dma_start3A_72 = tpu.memref_slice %arg5[%dma_start3A, %dma_start3A_71] : memref<5x128xi32, #tpu.memory_space<vmem>> -> memref<1x128xi32, #tpu.memory_space<vmem>>
    %dma_start3A_73 = tpu.memref_squeeze %dma_start3A_72 : memref<1x128xi32, #tpu.memory_space<vmem>> -> memref<128xi32, #tpu.memory_space<vmem>>
    %dma_start3A_74 = arith.constant 0 : i32
    %dma_start3A_75 = tpu.memref_slice %arg3[%select_n3A_48, %select_n3A_64, %dma_start3A_74] : memref<8x18x128xi32, #tpu.memory_space<hbm>> -> memref<1x1x128xi32, #tpu.memory_space<hbm>>
    %dma_start3A_76 = tpu.memref_squeeze %dma_start3A_75 : memref<1x1x128xi32, #tpu.memory_space<hbm>> -> memref<128xi32, #tpu.memory_space<hbm>>
    tpu.enqueue_dma source(%dma_start3A_76 : memref<128xi32, #tpu.memory_space<hbm>>) target(%dma_start3A_73 : memref<128xi32, #tpu.memory_space<vmem>>) target_semaphore(%arg8 : memref<!tpu.dma_semaphore, #tpu.memory_space<semaphore_mem>>)
    %jit3A_77 = arith.constant 18 : i32
    %div3A_78 = arith.divsi %add3A_19, %jit3A_77 : i32
    %sign3A_79 = arith.constant 0 : i32
    %sign3A_80 = arith.cmpi sgt, %add3A_19, %sign3A_79 : i32
    %sign3A_81 = arith.extui %sign3A_80 : i1 to i32
    %sign3A_82 = arith.constant 0 : i32
    %sign3A_83 = arith.cmpi slt, %add3A_19, %sign3A_82 : i32
    %sign3A_84 = arith.extui %sign3A_83 : i1 to i32
    %sign3A_85 = arith.subi %sign3A_81, %sign3A_84 : i32
    %sign3A_86 = arith.constant 0 : i32
    %sign3A_87 = arith.cmpi sgt, %jit3A_77, %sign3A_86 : i32
    %sign3A_88 = arith.extui %sign3A_87 : i1 to i32
    %sign3A_89 = arith.constant 0 : i32
    %sign3A_90 = arith.cmpi slt, %jit3A_77, %sign3A_89 : i32
    %sign3A_91 = arith.extui %sign3A_90 : i1 to i32
    %sign3A_92 = arith.subi %sign3A_88, %sign3A_91 : i32
    %ne3A_93 = arith.cmpi ne, %sign3A_85, %sign3A_92 : i32
    %rem3A_94 = arith.remsi %add3A_19, %jit3A_77 : i32
    %ne3A_95 = arith.constant 0 : i32
    %ne3A_96 = arith.cmpi ne, %rem3A_94, %ne3A_95 : i32
    %and3A_97 = arith.andi %ne3A_93, %ne3A_96 : i1
    %sub3A_98 = arith.constant 1 : i32
    %sub3A_99 = arith.subi %div3A_78, %sub3A_98 : i32
    %select_n3A_100 = arith.select %and3A_97, %sub3A_99, %div3A_78 : i32
    %jit3A_101 = arith.constant 18 : i32
    %eq3A_102 = arith.constant 0 : i32
    %eq3A_103 = arith.cmpi eq, %jit3A_101, %eq3A_102 : i32
    %jit3A_104 = arith.constant 1 : i32
    %select_n3A_105 = arith.select %eq3A_103, %jit3A_104, %jit3A_101 : i32
    %rem3A_106 = arith.remsi %add3A_19, %select_n3A_105 : i32
    %ne3A_107 = arith.constant 0 : i32
    %ne3A_108 = arith.cmpi ne, %rem3A_106, %ne3A_107 : i32
    %lt3A_109 = arith.constant 0 : i32
    %lt3A_110 = arith.cmpi slt, %rem3A_106, %lt3A_109 : i32
    %lt3A_111 = arith.constant 0 : i32
    %lt3A_112 = arith.cmpi slt, %select_n3A_105, %lt3A_111 : i32
    %ne3A_113 = arith.xori %lt3A_110, %lt3A_112 : i1
    %and3A_114 = arith.andi %ne3A_113, %ne3A_108 : i1
    %add3A_115 = arith.addi %rem3A_106, %select_n3A_105 : i32
    %select_n3A_116 = arith.select %and3A_114, %add3A_115, %rem3A_106 : i32
    %dma_start3A_117 = arith.constant 1 : i32
    %dma_start3A_118 = arith.constant 0 : i32
    %dma_start3A_119 = tpu.memref_slice %arg5[%dma_start3A_117, %dma_start3A_118] : memref<5x128xi32, #tpu.memory_space<vmem>> -> memref<1x128xi32, #tpu.memory_space<vmem>>
    %dma_start3A_120 = tpu.memref_squeeze %dma_start3A_119 : memref<1x128xi32, #tpu.memory_space<vmem>> -> memref<128xi32, #tpu.memory_space<vmem>>
    %dma_start3A_121 = arith.constant 0 : i32
    %dma_start3A_122 = tpu.memref_slice %arg3[%select_n3A_100, %select_n3A_116, %dma_start3A_121] : memref<8x18x128xi32, #tpu.memory_space<hbm>> -> memref<1x1x128xi32, #tpu.memory_space<hbm>>
    %dma_start3A_123 = tpu.memref_squeeze %dma_start3A_122 : memref<1x1x128xi32, #tpu.memory_space<hbm>> -> memref<128xi32, #tpu.memory_space<hbm>>
    %dma_start3A_124 = arith.constant 0 : i32
    %dma_start3A_125 = tpu.memref_slice %arg5[%dma_start3A_117, %dma_start3A_124] : memref<5x128xi32, #tpu.memory_space<vmem>> -> memref<1x128xi32, #tpu.memory_space<vmem>>
    %dma_start3A_126 = tpu.memref_squeeze %dma_start3A_125 : memref<1x128xi32, #tpu.memory_space<vmem>> -> memref<128xi32, #tpu.memory_space<vmem>>
    %dma_start3A_127 = arith.constant 0 : i32
    %dma_start3A_128 = tpu.memref_slice %arg3[%select_n3A_100, %select_n3A_116, %dma_start3A_127] : memref<8x18x128xi32, #tpu.memory_space<hbm>> -> memref<1x1x128xi32, #tpu.memory_space<hbm>>
    %dma_start3A_129 = tpu.memref_squeeze %dma_start3A_128 : memref<1x1x128xi32, #tpu.memory_space<hbm>> -> memref<128xi32, #tpu.memory_space<hbm>>
    tpu.enqueue_dma source(%dma_start3A_129 : memref<128xi32, #tpu.memory_space<hbm>>) target(%dma_start3A_126 : memref<128xi32, #tpu.memory_space<vmem>>) target_semaphore(%arg8 : memref<!tpu.dma_semaphore, #tpu.memory_space<semaphore_mem>>)
    %jit3A_130 = arith.constant 18 : i32
    %div3A_131 = arith.divsi %add3A_23, %jit3A_130 : i32
    %sign3A_132 = arith.constant 0 : i32
    %sign3A_133 = arith.cmpi sgt, %add3A_23, %sign3A_132 : i32
    %sign3A_134 = arith.extui %sign3A_133 : i1 to i32
    %sign3A_135 = arith.constant 0 : i32
    %sign3A_136 = arith.cmpi slt, %add3A_23, %sign3A_135 : i32
    %sign3A_137 = arith.extui %sign3A_136 : i1 to i32
    %sign3A_138 = arith.subi %sign3A_134, %sign3A_137 : i32
    %sign3A_139 = arith.constant 0 : i32
    %sign3A_140 = arith.cmpi sgt, %jit3A_130, %sign3A_139 : i32
    %sign3A_141 = arith.extui %sign3A_140 : i1 to i32
    %sign3A_142 = arith.constant 0 : i32
    %sign3A_143 = arith.cmpi slt, %jit3A_130, %sign3A_142 : i32
    %sign3A_144 = arith.extui %sign3A_143 : i1 to i32
    %sign3A_145 = arith.subi %sign3A_141, %sign3A_144 : i32
    %ne3A_146 = arith.cmpi ne, %sign3A_138, %sign3A_145 : i32
    %rem3A_147 = arith.remsi %add3A_23, %jit3A_130 : i32
    %ne3A_148 = arith.constant 0 : i32
    %ne3A_149 = arith.cmpi ne, %rem3A_147, %ne3A_148 : i32
    %and3A_150 = arith.andi %ne3A_146, %ne3A_149 : i1
    %sub3A_151 = arith.constant 1 : i32
    %sub3A_152 = arith.subi %div3A_131, %sub3A_151 : i32
    %select_n3A_153 = arith.select %and3A_150, %sub3A_152, %div3A_131 : i32
    %jit3A_154 = arith.constant 18 : i32
    %eq3A_155 = arith.constant 0 : i32
    %eq3A_156 = arith.cmpi eq, %jit3A_154, %eq3A_155 : i32
    %jit3A_157 = arith.constant 1 : i32
    %select_n3A_158 = arith.select %eq3A_156, %jit3A_157, %jit3A_154 : i32
    %rem3A_159 = arith.remsi %add3A_23, %select_n3A_158 : i32
    %ne3A_160 = arith.constant 0 : i32
    %ne3A_161 = arith.cmpi ne, %rem3A_159, %ne3A_160 : i32
    %lt3A_162 = arith.constant 0 : i32
    %lt3A_163 = arith.cmpi slt, %rem3A_159, %lt3A_162 : i32
    %lt3A_164 = arith.constant 0 : i32
    %lt3A_165 = arith.cmpi slt, %select_n3A_158, %lt3A_164 : i32
    %ne3A_166 = arith.xori %lt3A_163, %lt3A_165 : i1
    %and3A_167 = arith.andi %ne3A_166, %ne3A_161 : i1
    %add3A_168 = arith.addi %rem3A_159, %select_n3A_158 : i32
    %select_n3A_169 = arith.select %and3A_167, %add3A_168, %rem3A_159 : i32
    %dma_start3A_170 = arith.constant 2 : i32
    %dma_start3A_171 = arith.constant 0 : i32
    %dma_start3A_172 = tpu.memref_slice %arg5[%dma_start3A_170, %dma_start3A_171] : memref<5x128xi32, #tpu.memory_space<vmem>> -> memref<1x128xi32, #tpu.memory_space<vmem>>
    %dma_start3A_173 = tpu.memref_squeeze %dma_start3A_172 : memref<1x128xi32, #tpu.memory_space<vmem>> -> memref<128xi32, #tpu.memory_space<vmem>>
    %dma_start3A_174 = arith.constant 0 : i32
    %dma_start3A_175 = tpu.memref_slice %arg3[%select_n3A_153, %select_n3A_169, %dma_start3A_174] : memref<8x18x128xi32, #tpu.memory_space<hbm>> -> memref<1x1x128xi32, #tpu.memory_space<hbm>>
    %dma_start3A_176 = tpu.memref_squeeze %dma_start3A_175 : memref<1x1x128xi32, #tpu.memory_space<hbm>> -> memref<128xi32, #tpu.memory_space<hbm>>
    %dma_start3A_177 = arith.constant 0 : i32
    %dma_start3A_178 = tpu.memref_slice %arg5[%dma_start3A_170, %dma_start3A_177] : memref<5x128xi32, #tpu.memory_space<vmem>> -> memref<1x128xi32, #tpu.memory_space<vmem>>
    %dma_start3A_179 = tpu.memref_squeeze %dma_start3A_178 : memref<1x128xi32, #tpu.memory_space<vmem>> -> memref<128xi32, #tpu.memory_space<vmem>>
    %dma_start3A_180 = arith.constant 0 : i32
    %dma_start3A_181 = tpu.memref_slice %arg3[%select_n3A_153, %select_n3A_169, %dma_start3A_180] : memref<8x18x128xi32, #tpu.memory_space<hbm>> -> memref<1x1x128xi32, #tpu.memory_space<hbm>>
    %dma_start3A_182 = tpu.memref_squeeze %dma_start3A_181 : memref<1x1x128xi32, #tpu.memory_space<hbm>> -> memref<128xi32, #tpu.memory_space<hbm>>
    tpu.enqueue_dma source(%dma_start3A_182 : memref<128xi32, #tpu.memory_space<hbm>>) target(%dma_start3A_179 : memref<128xi32, #tpu.memory_space<vmem>>) target_semaphore(%arg8 : memref<!tpu.dma_semaphore, #tpu.memory_space<semaphore_mem>>)
    %jit3A_183 = arith.constant 18 : i32
    %div3A_184 = arith.divsi %add3A_27, %jit3A_183 : i32
    %sign3A_185 = arith.constant 0 : i32
    %sign3A_186 = arith.cmpi sgt, %add3A_27, %sign3A_185 : i32
    %sign3A_187 = arith.extui %sign3A_186 : i1 to i32
    %sign3A_188 = arith.constant 0 : i32
    %sign3A_189 = arith.cmpi slt, %add3A_27, %sign3A_188 : i32
    %sign3A_190 = arith.extui %sign3A_189 : i1 to i32
    %sign3A_191 = arith.subi %sign3A_187, %sign3A_190 : i32
    %sign3A_192 = arith.constant 0 : i32
    %sign3A_193 = arith.cmpi sgt, %jit3A_183, %sign3A_192 : i32
    %sign3A_194 = arith.extui %sign3A_193 : i1 to i32
    %sign3A_195 = arith.constant 0 : i32
    %sign3A_196 = arith.cmpi slt, %jit3A_183, %sign3A_195 : i32
    %sign3A_197 = arith.extui %sign3A_196 : i1 to i32
    %sign3A_198 = arith.subi %sign3A_194, %sign3A_197 : i32
    %ne3A_199 = arith.cmpi ne, %sign3A_191, %sign3A_198 : i32
    %rem3A_200 = arith.remsi %add3A_27, %jit3A_183 : i32
    %ne3A_201 = arith.constant 0 : i32
    %ne3A_202 = arith.cmpi ne, %rem3A_200, %ne3A_201 : i32
    %and3A_203 = arith.andi %ne3A_199, %ne3A_202 : i1
    %sub3A_204 = arith.constant 1 : i32
    %sub3A_205 = arith.subi %div3A_184, %sub3A_204 : i32
    %select_n3A_206 = arith.select %and3A_203, %sub3A_205, %div3A_184 : i32
    %jit3A_207 = arith.constant 18 : i32
    %eq3A_208 = arith.constant 0 : i32
    %eq3A_209 = arith.cmpi eq, %jit3A_207, %eq3A_208 : i32
    %jit3A_210 = arith.constant 1 : i32
    %select_n3A_211 = arith.select %eq3A_209, %jit3A_210, %jit3A_207 : i32
    %rem3A_212 = arith.remsi %add3A_27, %select_n3A_211 : i32
    %ne3A_213 = arith.constant 0 : i32
    %ne3A_214 = arith.cmpi ne, %rem3A_212, %ne3A_213 : i32
    %lt3A_215 = arith.constant 0 : i32
    %lt3A_216 = arith.cmpi slt, %rem3A_212, %lt3A_215 : i32
    %lt3A_217 = arith.constant 0 : i32
    %lt3A_218 = arith.cmpi slt, %select_n3A_211, %lt3A_217 : i32
    %ne3A_219 = arith.xori %lt3A_216, %lt3A_218 : i1
    %and3A_220 = arith.andi %ne3A_219, %ne3A_214 : i1
    %add3A_221 = arith.addi %rem3A_212, %select_n3A_211 : i32
    %select_n3A_222 = arith.select %and3A_220, %add3A_221, %rem3A_212 : i32
    %dma_start3A_223 = arith.constant 3 : i32
    %dma_start3A_224 = arith.constant 0 : i32
    %dma_start3A_225 = tpu.memref_slice %arg5[%dma_start3A_223, %dma_start3A_224] : memref<5x128xi32, #tpu.memory_space<vmem>> -> memref<1x128xi32, #tpu.memory_space<vmem>>
    %dma_start3A_226 = tpu.memref_squeeze %dma_start3A_225 : memref<1x128xi32, #tpu.memory_space<vmem>> -> memref<128xi32, #tpu.memory_space<vmem>>
    %dma_start3A_227 = arith.constant 0 : i32
    %dma_start3A_228 = tpu.memref_slice %arg3[%select_n3A_206, %select_n3A_222, %dma_start3A_227] : memref<8x18x128xi32, #tpu.memory_space<hbm>> -> memref<1x1x128xi32, #tpu.memory_space<hbm>>
    %dma_start3A_229 = tpu.memref_squeeze %dma_start3A_228 : memref<1x1x128xi32, #tpu.memory_space<hbm>> -> memref<128xi32, #tpu.memory_space<hbm>>
    %dma_start3A_230 = arith.constant 0 : i32
    %dma_start3A_231 = tpu.memref_slice %arg5[%dma_start3A_223, %dma_start3A_230] : memref<5x128xi32, #tpu.memory_space<vmem>> -> memref<1x128xi32, #tpu.memory_space<vmem>>
    %dma_start3A_232 = tpu.memref_squeeze %dma_start3A_231 : memref<1x128xi32, #tpu.memory_space<vmem>> -> memref<128xi32, #tpu.memory_space<vmem>>
    %dma_start3A_233 = arith.constant 0 : i32
    %dma_start3A_234 = tpu.memref_slice %arg3[%select_n3A_206, %select_n3A_222, %dma_start3A_233] : memref<8x18x128xi32, #tpu.memory_space<hbm>> -> memref<1x1x128xi32, #tpu.memory_space<hbm>>
    %dma_start3A_235 = tpu.memref_squeeze %dma_start3A_234 : memref<1x1x128xi32, #tpu.memory_space<hbm>> -> memref<128xi32, #tpu.memory_space<hbm>>
    tpu.enqueue_dma source(%dma_start3A_235 : memref<128xi32, #tpu.memory_space<hbm>>) target(%dma_start3A_232 : memref<128xi32, #tpu.memory_space<vmem>>) target_semaphore(%arg8 : memref<!tpu.dma_semaphore, #tpu.memory_space<semaphore_mem>>)
    %jit3A_236 = arith.constant 18 : i32
    %div3A_237 = arith.divsi %add3A_11, %jit3A_236 : i32
    %sign3A_238 = arith.constant 0 : i32
    %sign3A_239 = arith.cmpi sgt, %add3A_11, %sign3A_238 : i32
    %sign3A_240 = arith.extui %sign3A_239 : i1 to i32
    %sign3A_241 = arith.constant 0 : i32
    %sign3A_242 = arith.cmpi slt, %add3A_11, %sign3A_241 : i32
    %sign3A_243 = arith.extui %sign3A_242 : i1 to i32
    %sign3A_244 = arith.subi %sign3A_240, %sign3A_243 : i32
    %sign3A_245 = arith.constant 0 : i32
    %sign3A_246 = arith.cmpi sgt, %jit3A_236, %sign3A_245 : i32
    %sign3A_247 = arith.extui %sign3A_246 : i1 to i32
    %sign3A_248 = arith.constant 0 : i32
    %sign3A_249 = arith.cmpi slt, %jit3A_236, %sign3A_248 : i32
    %sign3A_250 = arith.extui %sign3A_249 : i1 to i32
    %sign3A_251 = arith.subi %sign3A_247, %sign3A_250 : i32
    %ne3A_252 = arith.cmpi ne, %sign3A_244, %sign3A_251 : i32
    %rem3A_253 = arith.remsi %add3A_11, %jit3A_236 : i32
    %ne3A_254 = arith.constant 0 : i32
    %ne3A_255 = arith.cmpi ne, %rem3A_253, %ne3A_254 : i32
    %and3A_256 = arith.andi %ne3A_252, %ne3A_255 : i1
    %sub3A_257 = arith.constant 1 : i32
    %sub3A_258 = arith.subi %div3A_237, %sub3A_257 : i32
    %select_n3A_259 = arith.select %and3A_256, %sub3A_258, %div3A_237 : i32
    %jit3A_260 = arith.constant 18 : i32
    %eq3A_261 = arith.constant 0 : i32
    %eq3A_262 = arith.cmpi eq, %jit3A_260, %eq3A_261 : i32
    %jit3A_263 = arith.constant 1 : i32
    %select_n3A_264 = arith.select %eq3A_262, %jit3A_263, %jit3A_260 : i32
    %rem3A_265 = arith.remsi %add3A_11, %select_n3A_264 : i32
    %ne3A_266 = arith.constant 0 : i32
    %ne3A_267 = arith.cmpi ne, %rem3A_265, %ne3A_266 : i32
    %lt3A_268 = arith.constant 0 : i32
    %lt3A_269 = arith.cmpi slt, %rem3A_265, %lt3A_268 : i32
    %lt3A_270 = arith.constant 0 : i32
    %lt3A_271 = arith.cmpi slt, %select_n3A_264, %lt3A_270 : i32
    %ne3A_272 = arith.xori %lt3A_269, %lt3A_271 : i1
    %and3A_273 = arith.andi %ne3A_272, %ne3A_267 : i1
    %add3A_274 = arith.addi %rem3A_265, %select_n3A_264 : i32
    %select_n3A_275 = arith.select %and3A_273, %add3A_274, %rem3A_265 : i32
    %dma_start3A_276 = arith.constant 4 : i32
    %dma_start3A_277 = arith.constant 0 : i32
    %dma_start3A_278 = tpu.memref_slice %arg5[%dma_start3A_276, %dma_start3A_277] : memref<5x128xi32, #tpu.memory_space<vmem>> -> memref<1x128xi32, #tpu.memory_space<vmem>>
    %dma_start3A_279 = tpu.memref_squeeze %dma_start3A_278 : memref<1x128xi32, #tpu.memory_space<vmem>> -> memref<128xi32, #tpu.memory_space<vmem>>
    %dma_start3A_280 = arith.constant 0 : i32
    %dma_start3A_281 = tpu.memref_slice %arg3[%select_n3A_259, %select_n3A_275, %dma_start3A_280] : memref<8x18x128xi32, #tpu.memory_space<hbm>> -> memref<1x1x128xi32, #tpu.memory_space<hbm>>
    %dma_start3A_282 = tpu.memref_squeeze %dma_start3A_281 : memref<1x1x128xi32, #tpu.memory_space<hbm>> -> memref<128xi32, #tpu.memory_space<hbm>>
    %dma_start3A_283 = arith.constant 0 : i32
    %dma_start3A_284 = tpu.memref_slice %arg5[%dma_start3A_276, %dma_start3A_283] : memref<5x128xi32, #tpu.memory_space<vmem>> -> memref<1x128xi32, #tpu.memory_space<vmem>>
    %dma_start3A_285 = tpu.memref_squeeze %dma_start3A_284 : memref<1x128xi32, #tpu.memory_space<vmem>> -> memref<128xi32, #tpu.memory_space<vmem>>
    %dma_start3A_286 = arith.constant 0 : i32
    %dma_start3A_287 = tpu.memref_slice %arg3[%select_n3A_259, %select_n3A_275, %dma_start3A_286] : memref<8x18x128xi32, #tpu.memory_space<hbm>> -> memref<1x1x128xi32, #tpu.memory_space<hbm>>
    %dma_start3A_288 = tpu.memref_squeeze %dma_start3A_287 : memref<1x1x128xi32, #tpu.memory_space<hbm>> -> memref<128xi32, #tpu.memory_space<hbm>>
    tpu.enqueue_dma source(%dma_start3A_288 : memref<128xi32, #tpu.memory_space<hbm>>) target(%dma_start3A_285 : memref<128xi32, #tpu.memory_space<vmem>>) target_semaphore(%arg8 : memref<!tpu.dma_semaphore, #tpu.memory_space<semaphore_mem>>)
    %dma_wait3A = arith.constant 0 : i32
    %dma_wait3A_289 = arith.constant 0 : i32
    %dma_wait3A_290 = tpu.memref_slice %arg5[%dma_wait3A, %dma_wait3A_289] : memref<5x128xi32, #tpu.memory_space<vmem>> -> memref<1x128xi32, #tpu.memory_space<vmem>>
    %dma_wait3A_291 = tpu.memref_squeeze %dma_wait3A_290 : memref<1x128xi32, #tpu.memory_space<vmem>> -> memref<128xi32, #tpu.memory_space<vmem>>
    %dma_wait3A_292 = arith.constant 0 : i32
    %dma_wait3A_293 = tpu.memref_slice %arg3[%select_n3A_48, %select_n3A_64, %dma_wait3A_292] : memref<8x18x128xi32, #tpu.memory_space<hbm>> -> memref<1x1x128xi32, #tpu.memory_space<hbm>>
    %dma_wait3A_294 = tpu.memref_squeeze %dma_wait3A_293 : memref<1x1x128xi32, #tpu.memory_space<hbm>> -> memref<128xi32, #tpu.memory_space<hbm>>
    %dma_wait3A_295 = arith.constant 0 : i32
    %dma_wait3A_296 = tpu.memref_slice %arg5[%dma_wait3A, %dma_wait3A_295] : memref<5x128xi32, #tpu.memory_space<vmem>> -> memref<1x128xi32, #tpu.memory_space<vmem>>
    %dma_wait3A_297 = tpu.memref_squeeze %dma_wait3A_296 : memref<1x128xi32, #tpu.memory_space<vmem>> -> memref<128xi32, #tpu.memory_space<vmem>>
    %dma_wait3A_298 = arith.constant 0 : i32
    %dma_wait3A_299 = tpu.memref_slice %arg3[%select_n3A_48, %select_n3A_64, %dma_wait3A_298] : memref<8x18x128xi32, #tpu.memory_space<hbm>> -> memref<1x1x128xi32, #tpu.memory_space<hbm>>
    %dma_wait3A_300 = tpu.memref_squeeze %dma_wait3A_299 : memref<1x1x128xi32, #tpu.memory_space<hbm>> -> memref<128xi32, #tpu.memory_space<hbm>>
    tpu.wait_dma2 semaphore(%arg8 : memref<!tpu.dma_semaphore, #tpu.memory_space<semaphore_mem>>) src(%dma_wait3A_300 : memref<128xi32, #tpu.memory_space<hbm>>) dst(%dma_wait3A_297 : memref<128xi32, #tpu.memory_space<vmem>>)
    %dma_wait3A_301 = arith.constant 1 : i32
    %dma_wait3A_302 = arith.constant 0 : i32
    %dma_wait3A_303 = tpu.memref_slice %arg5[%dma_wait3A_301, %dma_wait3A_302] : memref<5x128xi32, #tpu.memory_space<vmem>> -> memref<1x128xi32, #tpu.memory_space<vmem>>
    %dma_wait3A_304 = tpu.memref_squeeze %dma_wait3A_303 : memref<1x128xi32, #tpu.memory_space<vmem>> -> memref<128xi32, #tpu.memory_space<vmem>>
    %dma_wait3A_305 = arith.constant 0 : i32
    %dma_wait3A_306 = tpu.memref_slice %arg3[%select_n3A_100, %select_n3A_116, %dma_wait3A_305] : memref<8x18x128xi32, #tpu.memory_space<hbm>> -> memref<1x1x128xi32, #tpu.memory_space<hbm>>
    %dma_wait3A_307 = tpu.memref_squeeze %dma_wait3A_306 : memref<1x1x128xi32, #tpu.memory_space<hbm>> -> memref<128xi32, #tpu.memory_space<hbm>>
    %dma_wait3A_308 = arith.constant 0 : i32
    %dma_wait3A_309 = tpu.memref_slice %arg5[%dma_wait3A_301, %dma_wait3A_308] : memref<5x128xi32, #tpu.memory_space<vmem>> -> memref<1x128xi32, #tpu.memory_space<vmem>>
    %dma_wait3A_310 = tpu.memref_squeeze %dma_wait3A_309 : memref<1x128xi32, #tpu.memory_space<vmem>> -> memref<128xi32, #tpu.memory_space<vmem>>
    %dma_wait3A_311 = arith.constant 0 : i32
    %dma_wait3A_312 = tpu.memref_slice %arg3[%select_n3A_100, %select_n3A_116, %dma_wait3A_311] : memref<8x18x128xi32, #tpu.memory_space<hbm>> -> memref<1x1x128xi32, #tpu.memory_space<hbm>>
    %dma_wait3A_313 = tpu.memref_squeeze %dma_wait3A_312 : memref<1x1x128xi32, #tpu.memory_space<hbm>> -> memref<128xi32, #tpu.memory_space<hbm>>
    tpu.wait_dma2 semaphore(%arg8 : memref<!tpu.dma_semaphore, #tpu.memory_space<semaphore_mem>>) src(%dma_wait3A_313 : memref<128xi32, #tpu.memory_space<hbm>>) dst(%dma_wait3A_310 : memref<128xi32, #tpu.memory_space<vmem>>)
    %dma_wait3A_314 = arith.constant 2 : i32
    %dma_wait3A_315 = arith.constant 0 : i32
    %dma_wait3A_316 = tpu.memref_slice %arg5[%dma_wait3A_314, %dma_wait3A_315] : memref<5x128xi32, #tpu.memory_space<vmem>> -> memref<1x128xi32, #tpu.memory_space<vmem>>
    %dma_wait3A_317 = tpu.memref_squeeze %dma_wait3A_316 : memref<1x128xi32, #tpu.memory_space<vmem>> -> memref<128xi32, #tpu.memory_space<vmem>>
    %dma_wait3A_318 = arith.constant 0 : i32
    %dma_wait3A_319 = tpu.memref_slice %arg3[%select_n3A_153, %select_n3A_169, %dma_wait3A_318] : memref<8x18x128xi32, #tpu.memory_space<hbm>> -> memref<1x1x128xi32, #tpu.memory_space<hbm>>
    %dma_wait3A_320 = tpu.memref_squeeze %dma_wait3A_319 : memref<1x1x128xi32, #tpu.memory_space<hbm>> -> memref<128xi32, #tpu.memory_space<hbm>>
    %dma_wait3A_321 = arith.constant 0 : i32
    %dma_wait3A_322 = tpu.memref_slice %arg5[%dma_wait3A_314, %dma_wait3A_321] : memref<5x128xi32, #tpu.memory_space<vmem>> -> memref<1x128xi32, #tpu.memory_space<vmem>>
    %dma_wait3A_323 = tpu.memref_squeeze %dma_wait3A_322 : memref<1x128xi32, #tpu.memory_space<vmem>> -> memref<128xi32, #tpu.memory_space<vmem>>
    %dma_wait3A_324 = arith.constant 0 : i32
    %dma_wait3A_325 = tpu.memref_slice %arg3[%select_n3A_153, %select_n3A_169, %dma_wait3A_324] : memref<8x18x128xi32, #tpu.memory_space<hbm>> -> memref<1x1x128xi32, #tpu.memory_space<hbm>>
    %dma_wait3A_326 = tpu.memref_squeeze %dma_wait3A_325 : memref<1x1x128xi32, #tpu.memory_space<hbm>> -> memref<128xi32, #tpu.memory_space<hbm>>
    tpu.wait_dma2 semaphore(%arg8 : memref<!tpu.dma_semaphore, #tpu.memory_space<semaphore_mem>>) src(%dma_wait3A_326 : memref<128xi32, #tpu.memory_space<hbm>>) dst(%dma_wait3A_323 : memref<128xi32, #tpu.memory_space<vmem>>)
    %dma_wait3A_327 = arith.constant 3 : i32
    %dma_wait3A_328 = arith.constant 0 : i32
    %dma_wait3A_329 = tpu.memref_slice %arg5[%dma_wait3A_327, %dma_wait3A_328] : memref<5x128xi32, #tpu.memory_space<vmem>> -> memref<1x128xi32, #tpu.memory_space<vmem>>
    %dma_wait3A_330 = tpu.memref_squeeze %dma_wait3A_329 : memref<1x128xi32, #tpu.memory_space<vmem>> -> memref<128xi32, #tpu.memory_space<vmem>>
    %dma_wait3A_331 = arith.constant 0 : i32
    %dma_wait3A_332 = tpu.memref_slice %arg3[%select_n3A_206, %select_n3A_222, %dma_wait3A_331] : memref<8x18x128xi32, #tpu.memory_space<hbm>> -> memref<1x1x128xi32, #tpu.memory_space<hbm>>
    %dma_wait3A_333 = tpu.memref_squeeze %dma_wait3A_332 : memref<1x1x128xi32, #tpu.memory_space<hbm>> -> memref<128xi32, #tpu.memory_space<hbm>>
    %dma_wait3A_334 = arith.constant 0 : i32
    %dma_wait3A_335 = tpu.memref_slice %arg5[%dma_wait3A_327, %dma_wait3A_334] : memref<5x128xi32, #tpu.memory_space<vmem>> -> memref<1x128xi32, #tpu.memory_space<vmem>>
    %dma_wait3A_336 = tpu.memref_squeeze %dma_wait3A_335 : memref<1x128xi32, #tpu.memory_space<vmem>> -> memref<128xi32, #tpu.memory_space<vmem>>
    %dma_wait3A_337 = arith.constant 0 : i32
    %dma_wait3A_338 = tpu.memref_slice %arg3[%select_n3A_206, %select_n3A_222, %dma_wait3A_337] : memref<8x18x128xi32, #tpu.memory_space<hbm>> -> memref<1x1x128xi32, #tpu.memory_space<hbm>>
    %dma_wait3A_339 = tpu.memref_squeeze %dma_wait3A_338 : memref<1x1x128xi32, #tpu.memory_space<hbm>> -> memref<128xi32, #tpu.memory_space<hbm>>
    tpu.wait_dma2 semaphore(%arg8 : memref<!tpu.dma_semaphore, #tpu.memory_space<semaphore_mem>>) src(%dma_wait3A_339 : memref<128xi32, #tpu.memory_space<hbm>>) dst(%dma_wait3A_336 : memref<128xi32, #tpu.memory_space<vmem>>)
    %dma_wait3A_340 = arith.constant 4 : i32
    %dma_wait3A_341 = arith.constant 0 : i32
    %dma_wait3A_342 = tpu.memref_slice %arg5[%dma_wait3A_340, %dma_wait3A_341] : memref<5x128xi32, #tpu.memory_space<vmem>> -> memref<1x128xi32, #tpu.memory_space<vmem>>
    %dma_wait3A_343 = tpu.memref_squeeze %dma_wait3A_342 : memref<1x128xi32, #tpu.memory_space<vmem>> -> memref<128xi32, #tpu.memory_space<vmem>>
    %dma_wait3A_344 = arith.constant 0 : i32
    %dma_wait3A_345 = tpu.memref_slice %arg3[%select_n3A_259, %select_n3A_275, %dma_wait3A_344] : memref<8x18x128xi32, #tpu.memory_space<hbm>> -> memref<1x1x128xi32, #tpu.memory_space<hbm>>
    %dma_wait3A_346 = tpu.memref_squeeze %dma_wait3A_345 : memref<1x1x128xi32, #tpu.memory_space<hbm>> -> memref<128xi32, #tpu.memory_space<hbm>>
    %dma_wait3A_347 = arith.constant 0 : i32
    %dma_wait3A_348 = tpu.memref_slice %arg5[%dma_wait3A_340, %dma_wait3A_347] : memref<5x128xi32, #tpu.memory_space<vmem>> -> memref<1x128xi32, #tpu.memory_space<vmem>>
    %dma_wait3A_349 = tpu.memref_squeeze %dma_wait3A_348 : memref<1x128xi32, #tpu.memory_space<vmem>> -> memref<128xi32, #tpu.memory_space<vmem>>
    %dma_wait3A_350 = arith.constant 0 : i32
    %dma_wait3A_351 = tpu.memref_slice %arg3[%select_n3A_259, %select_n3A_275, %dma_wait3A_350] : memref<8x18x128xi32, #tpu.memory_space<hbm>> -> memref<1x1x128xi32, #tpu.memory_space<hbm>>
    %dma_wait3A_352 = tpu.memref_squeeze %dma_wait3A_351 : memref<1x1x128xi32, #tpu.memory_space<hbm>> -> memref<128xi32, #tpu.memory_space<hbm>>
    tpu.wait_dma2 semaphore(%arg8 : memref<!tpu.dma_semaphore, #tpu.memory_space<semaphore_mem>>) src(%dma_wait3A_352 : memref<128xi32, #tpu.memory_space<hbm>>) dst(%dma_wait3A_349 : memref<128xi32, #tpu.memory_space<vmem>>)
    %dma_start3A_353 = arith.constant 0 : i32
    %dma_start3A_354 = arith.constant 0 : i32
    %dma_start3A_355 = arith.constant 0 : i32
    %dma_start3A_356 = tpu.memref_slice %arg6[%dma_start3A_354, %dma_start3A_355] : memref<640x128xf32, #tpu.memory_space<vmem>> -> memref<128x128xf32, #tpu.memory_space<vmem>>
    %dma_start3A_357 = arith.constant 0 : i32
    %dma_start3A_358 = tpu.memref_slice %arg5[%dma_start3A_353, %dma_start3A_357] : memref<5x128xi32, #tpu.memory_space<vmem>> -> memref<1x128xi32, #tpu.memory_space<vmem>>
    %dma_start3A_359 = tpu.memref_squeeze %dma_start3A_358 : memref<1x128xi32, #tpu.memory_space<vmem>> -> memref<128xi32, #tpu.memory_space<vmem>>
    %dma_start3A_360 = arith.constant 0 : i32
    %dma_start3A_361 = arith.constant 0 : i32
    %dma_start3A_362 = tpu.memref_slice %arg2[%dma_start3A_360, %dma_start3A_361] : memref<1024x128xf32, #tpu.memory_space<hbm>> -> memref<1024x128xf32, #tpu.memory_space<hbm>>
    tpu.enqueue_indirect_dma source(%dma_start3A_362 : memref<1024x128xf32, #tpu.memory_space<hbm>>) target(%dma_start3A_356 : memref<128x128xf32, #tpu.memory_space<vmem>>) offsets(%dma_start3A_359 : memref<128xi32, #tpu.memory_space<vmem>>) semaphore(%arg7 : memref<!tpu.dma_semaphore, #tpu.memory_space<semaphore_mem>>)
    %dma_start3A_363 = arith.constant 1 : i32
    %dma_start3A_364 = arith.constant 128 : i32
    %dma_start3A_365 = arith.constant 0 : i32
    %dma_start3A_366 = tpu.memref_slice %arg6[%dma_start3A_364, %dma_start3A_365] : memref<640x128xf32, #tpu.memory_space<vmem>> -> memref<128x128xf32, #tpu.memory_space<vmem>>
    %dma_start3A_367 = arith.constant 0 : i32
    %dma_start3A_368 = tpu.memref_slice %arg5[%dma_start3A_363, %dma_start3A_367] : memref<5x128xi32, #tpu.memory_space<vmem>> -> memref<1x128xi32, #tpu.memory_space<vmem>>
    %dma_start3A_369 = tpu.memref_squeeze %dma_start3A_368 : memref<1x128xi32, #tpu.memory_space<vmem>> -> memref<128xi32, #tpu.memory_space<vmem>>
    %dma_start3A_370 = arith.constant 0 : i32
    %dma_start3A_371 = arith.constant 0 : i32
    %dma_start3A_372 = tpu.memref_slice %arg2[%dma_start3A_370, %dma_start3A_371] : memref<1024x128xf32, #tpu.memory_space<hbm>> -> memref<1024x128xf32, #tpu.memory_space<hbm>>
    tpu.enqueue_indirect_dma source(%dma_start3A_372 : memref<1024x128xf32, #tpu.memory_space<hbm>>) target(%dma_start3A_366 : memref<128x128xf32, #tpu.memory_space<vmem>>) offsets(%dma_start3A_369 : memref<128xi32, #tpu.memory_space<vmem>>) semaphore(%arg7 : memref<!tpu.dma_semaphore, #tpu.memory_space<semaphore_mem>>)
    %dma_start3A_373 = arith.constant 2 : i32
    %dma_start3A_374 = arith.constant 256 : i32
    %dma_start3A_375 = arith.constant 0 : i32
    %dma_start3A_376 = tpu.memref_slice %arg6[%dma_start3A_374, %dma_start3A_375] : memref<640x128xf32, #tpu.memory_space<vmem>> -> memref<128x128xf32, #tpu.memory_space<vmem>>
    %dma_start3A_377 = arith.constant 0 : i32
    %dma_start3A_378 = tpu.memref_slice %arg5[%dma_start3A_373, %dma_start3A_377] : memref<5x128xi32, #tpu.memory_space<vmem>> -> memref<1x128xi32, #tpu.memory_space<vmem>>
    %dma_start3A_379 = tpu.memref_squeeze %dma_start3A_378 : memref<1x128xi32, #tpu.memory_space<vmem>> -> memref<128xi32, #tpu.memory_space<vmem>>
    %dma_start3A_380 = arith.constant 0 : i32
    %dma_start3A_381 = arith.constant 0 : i32
    %dma_start3A_382 = tpu.memref_slice %arg2[%dma_start3A_380, %dma_start3A_381] : memref<1024x128xf32, #tpu.memory_space<hbm>> -> memref<1024x128xf32, #tpu.memory_space<hbm>>
    tpu.enqueue_indirect_dma source(%dma_start3A_382 : memref<1024x128xf32, #tpu.memory_space<hbm>>) target(%dma_start3A_376 : memref<128x128xf32, #tpu.memory_space<vmem>>) offsets(%dma_start3A_379 : memref<128xi32, #tpu.memory_space<vmem>>) semaphore(%arg7 : memref<!tpu.dma_semaphore, #tpu.memory_space<semaphore_mem>>)
    %dma_start3A_383 = arith.constant 3 : i32
    %dma_start3A_384 = arith.constant 384 : i32
    %dma_start3A_385 = arith.constant 0 : i32
    %dma_start3A_386 = tpu.memref_slice %arg6[%dma_start3A_384, %dma_start3A_385] : memref<640x128xf32, #tpu.memory_space<vmem>> -> memref<128x128xf32, #tpu.memory_space<vmem>>
    %dma_start3A_387 = arith.constant 0 : i32
    %dma_start3A_388 = tpu.memref_slice %arg5[%dma_start3A_383, %dma_start3A_387] : memref<5x128xi32, #tpu.memory_space<vmem>> -> memref<1x128xi32, #tpu.memory_space<vmem>>
    %dma_start3A_389 = tpu.memref_squeeze %dma_start3A_388 : memref<1x128xi32, #tpu.memory_space<vmem>> -> memref<128xi32, #tpu.memory_space<vmem>>
    %dma_start3A_390 = arith.constant 0 : i32
    %dma_start3A_391 = arith.constant 0 : i32
    %dma_start3A_392 = tpu.memref_slice %arg2[%dma_start3A_390, %dma_start3A_391] : memref<1024x128xf32, #tpu.memory_space<hbm>> -> memref<1024x128xf32, #tpu.memory_space<hbm>>
    tpu.enqueue_indirect_dma source(%dma_start3A_392 : memref<1024x128xf32, #tpu.memory_space<hbm>>) target(%dma_start3A_386 : memref<128x128xf32, #tpu.memory_space<vmem>>) offsets(%dma_start3A_389 : memref<128xi32, #tpu.memory_space<vmem>>) semaphore(%arg7 : memref<!tpu.dma_semaphore, #tpu.memory_space<semaphore_mem>>)
    %dma_start3A_393 = arith.constant 4 : i32
    %dma_start3A_394 = arith.constant 512 : i32
    %dma_start3A_395 = arith.constant 0 : i32
    %dma_start3A_396 = tpu.memref_slice %arg6[%dma_start3A_394, %dma_start3A_395] : memref<640x128xf32, #tpu.memory_space<vmem>> -> memref<128x128xf32, #tpu.memory_space<vmem>>
    %dma_start3A_397 = arith.constant 0 : i32
    %dma_start3A_398 = tpu.memref_slice %arg5[%dma_start3A_393, %dma_start3A_397] : memref<5x128xi32, #tpu.memory_space<vmem>> -> memref<1x128xi32, #tpu.memory_space<vmem>>
    %dma_start3A_399 = tpu.memref_squeeze %dma_start3A_398 : memref<1x128xi32, #tpu.memory_space<vmem>> -> memref<128xi32, #tpu.memory_space<vmem>>
    %dma_start3A_400 = arith.constant 0 : i32
    %dma_start3A_401 = arith.constant 0 : i32
    %dma_start3A_402 = tpu.memref_slice %arg2[%dma_start3A_400, %dma_start3A_401] : memref<1024x128xf32, #tpu.memory_space<hbm>> -> memref<1024x128xf32, #tpu.memory_space<hbm>>
    tpu.enqueue_indirect_dma source(%dma_start3A_402 : memref<1024x128xf32, #tpu.memory_space<hbm>>) target(%dma_start3A_396 : memref<128x128xf32, #tpu.memory_space<vmem>>) offsets(%dma_start3A_399 : memref<128xi32, #tpu.memory_space<vmem>>) semaphore(%arg7 : memref<!tpu.dma_semaphore, #tpu.memory_space<semaphore_mem>>)
    %dma_wait3A_403 = arith.constant 0 : i32
    %dma_wait3A_404 = arith.constant 0 : i32
    %dma_wait3A_405 = arith.constant 0 : i32
    %dma_wait3A_406 = tpu.memref_slice %arg6[%dma_wait3A_404, %dma_wait3A_405] : memref<640x128xf32, #tpu.memory_space<vmem>> -> memref<128x128xf32, #tpu.memory_space<vmem>>
    %dma_wait3A_407 = arith.constant 0 : i32
    %dma_wait3A_408 = tpu.memref_slice %arg5[%dma_wait3A_403, %dma_wait3A_407] : memref<5x128xi32, #tpu.memory_space<vmem>> -> memref<1x128xi32, #tpu.memory_space<vmem>>
    %dma_wait3A_409 = tpu.memref_squeeze %dma_wait3A_408 : memref<1x128xi32, #tpu.memory_space<vmem>> -> memref<128xi32, #tpu.memory_space<vmem>>
    %dma_wait3A_410 = arith.constant 0 : i32
    %dma_wait3A_411 = arith.constant 0 : i32
    %dma_wait3A_412 = tpu.memref_slice %arg2[%dma_wait3A_410, %dma_wait3A_411] : memref<1024x128xf32, #tpu.memory_space<hbm>> -> memref<1024x128xf32, #tpu.memory_space<hbm>>
    tpu.wait_indirect_dma semaphore(%arg7 : memref<!tpu.dma_semaphore, #tpu.memory_space<semaphore_mem>>) src(%dma_wait3A_412 : memref<1024x128xf32, #tpu.memory_space<hbm>>) dst(%dma_wait3A_406 : memref<128x128xf32, #tpu.memory_space<vmem>>)
    %dma_wait3A_413 = arith.constant 1 : i32
    %dma_wait3A_414 = arith.constant 128 : i32
    %dma_wait3A_415 = arith.constant 0 : i32
    %dma_wait3A_416 = tpu.memref_slice %arg6[%dma_wait3A_414, %dma_wait3A_415] : memref<640x128xf32, #tpu.memory_space<vmem>> -> memref<128x128xf32, #tpu.memory_space<vmem>>
    %dma_wait3A_417 = arith.constant 0 : i32
    %dma_wait3A_418 = tpu.memref_slice %arg5[%dma_wait3A_413, %dma_wait3A_417] : memref<5x128xi32, #tpu.memory_space<vmem>> -> memref<1x128xi32, #tpu.memory_space<vmem>>
    %dma_wait3A_419 = tpu.memref_squeeze %dma_wait3A_418 : memref<1x128xi32, #tpu.memory_space<vmem>> -> memref<128xi32, #tpu.memory_space<vmem>>
    %dma_wait3A_420 = arith.constant 0 : i32
    %dma_wait3A_421 = arith.constant 0 : i32
    %dma_wait3A_422 = tpu.memref_slice %arg2[%dma_wait3A_420, %dma_wait3A_421] : memref<1024x128xf32, #tpu.memory_space<hbm>> -> memref<1024x128xf32, #tpu.memory_space<hbm>>
    tpu.wait_indirect_dma semaphore(%arg7 : memref<!tpu.dma_semaphore, #tpu.memory_space<semaphore_mem>>) src(%dma_wait3A_422 : memref<1024x128xf32, #tpu.memory_space<hbm>>) dst(%dma_wait3A_416 : memref<128x128xf32, #tpu.memory_space<vmem>>)
    %dma_wait3A_423 = arith.constant 2 : i32
    %dma_wait3A_424 = arith.constant 256 : i32
    %dma_wait3A_425 = arith.constant 0 : i32
    %dma_wait3A_426 = tpu.memref_slice %arg6[%dma_wait3A_424, %dma_wait3A_425] : memref<640x128xf32, #tpu.memory_space<vmem>> -> memref<128x128xf32, #tpu.memory_space<vmem>>
    %dma_wait3A_427 = arith.constant 0 : i32
    %dma_wait3A_428 = tpu.memref_slice %arg5[%dma_wait3A_423, %dma_wait3A_427] : memref<5x128xi32, #tpu.memory_space<vmem>> -> memref<1x128xi32, #tpu.memory_space<vmem>>
    %dma_wait3A_429 = tpu.memref_squeeze %dma_wait3A_428 : memref<1x128xi32, #tpu.memory_space<vmem>> -> memref<128xi32, #tpu.memory_space<vmem>>
    %dma_wait3A_430 = arith.constant 0 : i32
    %dma_wait3A_431 = arith.constant 0 : i32
    %dma_wait3A_432 = tpu.memref_slice %arg2[%dma_wait3A_430, %dma_wait3A_431] : memref<1024x128xf32, #tpu.memory_space<hbm>> -> memref<1024x128xf32, #tpu.memory_space<hbm>>
    tpu.wait_indirect_dma semaphore(%arg7 : memref<!tpu.dma_semaphore, #tpu.memory_space<semaphore_mem>>) src(%dma_wait3A_432 : memref<1024x128xf32, #tpu.memory_space<hbm>>) dst(%dma_wait3A_426 : memref<128x128xf32, #tpu.memory_space<vmem>>)
    %dma_wait3A_433 = arith.constant 3 : i32
    %dma_wait3A_434 = arith.constant 384 : i32
    %dma_wait3A_435 = arith.constant 0 : i32
    %dma_wait3A_436 = tpu.memref_slice %arg6[%dma_wait3A_434, %dma_wait3A_435] : memref<640x128xf32, #tpu.memory_space<vmem>> -> memref<128x128xf32, #tpu.memory_space<vmem>>
    %dma_wait3A_437 = arith.constant 0 : i32
    %dma_wait3A_438 = tpu.memref_slice %arg5[%dma_wait3A_433, %dma_wait3A_437] : memref<5x128xi32, #tpu.memory_space<vmem>> -> memref<1x128xi32, #tpu.memory_space<vmem>>
    %dma_wait3A_439 = tpu.memref_squeeze %dma_wait3A_438 : memref<1x128xi32, #tpu.memory_space<vmem>> -> memref<128xi32, #tpu.memory_space<vmem>>
    %dma_wait3A_440 = arith.constant 0 : i32
    %dma_wait3A_441 = arith.constant 0 : i32
    %dma_wait3A_442 = tpu.memref_slice %arg2[%dma_wait3A_440, %dma_wait3A_441] : memref<1024x128xf32, #tpu.memory_space<hbm>> -> memref<1024x128xf32, #tpu.memory_space<hbm>>
    tpu.wait_indirect_dma semaphore(%arg7 : memref<!tpu.dma_semaphore, #tpu.memory_space<semaphore_mem>>) src(%dma_wait3A_442 : memref<1024x128xf32, #tpu.memory_space<hbm>>) dst(%dma_wait3A_436 : memref<128x128xf32, #tpu.memory_space<vmem>>)
    %dma_wait3A_443 = arith.constant 4 : i32
    %dma_wait3A_444 = arith.constant 512 : i32
    %dma_wait3A_445 = arith.constant 0 : i32
    %dma_wait3A_446 = tpu.memref_slice %arg6[%dma_wait3A_444, %dma_wait3A_445] : memref<640x128xf32, #tpu.memory_space<vmem>> -> memref<128x128xf32, #tpu.memory_space<vmem>>
    %dma_wait3A_447 = arith.constant 0 : i32
    %dma_wait3A_448 = tpu.memref_slice %arg5[%dma_wait3A_443, %dma_wait3A_447] : memref<5x128xi32, #tpu.memory_space<vmem>> -> memref<1x128xi32, #tpu.memory_space<vmem>>
    %dma_wait3A_449 = tpu.memref_squeeze %dma_wait3A_448 : memref<1x128xi32, #tpu.memory_space<vmem>> -> memref<128xi32, #tpu.memory_space<vmem>>
    %dma_wait3A_450 = arith.constant 0 : i32
    %dma_wait3A_451 = arith.constant 0 : i32
    %dma_wait3A_452 = tpu.memref_slice %arg2[%dma_wait3A_450, %dma_wait3A_451] : memref<1024x128xf32, #tpu.memory_space<hbm>> -> memref<1024x128xf32, #tpu.memory_space<hbm>>
    tpu.wait_indirect_dma semaphore(%arg7 : memref<!tpu.dma_semaphore, #tpu.memory_space<semaphore_mem>>) src(%dma_wait3A_452 : memref<1024x128xf32, #tpu.memory_space<hbm>>) dst(%dma_wait3A_446 : memref<128x128xf32, #tpu.memory_space<vmem>>)
    %mul3A_453 = arith.constant 4 : i32
    %mul3A_454 = arith.muli %add3A, %mul3A_453 : i32
    %mul3A_455 = arith.constant 128 : i32
    %mul3A_456 = arith.muli %mul3A_454, %mul3A_455 : i32
    %dma_start3A_457 = arith.constant 0 : i32
    %dma_start3A_458 = arith.constant 0 : i32
    %dma_start3A_459 = tpu.memref_slice %arg6[%dma_start3A_457, %dma_start3A_458] : memref<640x128xf32, #tpu.memory_space<vmem>> -> memref<512x128xf32, #tpu.memory_space<vmem>>
    %dma_start3A_460 = arith.constant 0 : i32
    %dma_start3A_461 = tpu.memref_slice %arg4[%mul3A_456, %dma_start3A_460] : memref<18432x128xf32, #tpu.memory_space<hbm>> -> memref<512x128xf32, #tpu.memory_space<hbm>>
    %dma_start3A_462 = arith.constant 0 : i32
    %dma_start3A_463 = tpu.memref_slice %arg4[%mul3A_456, %dma_start3A_462] : memref<18432x128xf32, #tpu.memory_space<hbm>> -> memref<512x128xf32, #tpu.memory_space<hbm>>
    %dma_start3A_464 = arith.constant 0 : i32
    %dma_start3A_465 = arith.constant 0 : i32
    %dma_start3A_466 = tpu.memref_slice %arg6[%dma_start3A_464, %dma_start3A_465] : memref<640x128xf32, #tpu.memory_space<vmem>> -> memref<512x128xf32, #tpu.memory_space<vmem>>
    tpu.enqueue_dma source(%dma_start3A_466 : memref<512x128xf32, #tpu.memory_space<vmem>>) target(%dma_start3A_463 : memref<512x128xf32, #tpu.memory_space<hbm>>) target_semaphore(%arg8 : memref<!tpu.dma_semaphore, #tpu.memory_space<semaphore_mem>>)
    %dma_wait3A_467 = arith.constant 0 : i32
    %dma_wait3A_468 = arith.constant 0 : i32
    %dma_wait3A_469 = tpu.memref_slice %arg6[%dma_wait3A_467, %dma_wait3A_468] : memref<640x128xf32, #tpu.memory_space<vmem>> -> memref<512x128xf32, #tpu.memory_space<vmem>>
    %dma_wait3A_470 = arith.constant 0 : i32
    %dma_wait3A_471 = tpu.memref_slice %arg4[%mul3A_456, %dma_wait3A_470] : memref<18432x128xf32, #tpu.memory_space<hbm>> -> memref<512x128xf32, #tpu.memory_space<hbm>>
    %dma_wait3A_472 = arith.constant 0 : i32
    %dma_wait3A_473 = tpu.memref_slice %arg4[%mul3A_456, %dma_wait3A_472] : memref<18432x128xf32, #tpu.memory_space<hbm>> -> memref<512x128xf32, #tpu.memory_space<hbm>>
    %dma_wait3A_474 = arith.constant 0 : i32
    %dma_wait3A_475 = arith.constant 0 : i32
    %dma_wait3A_476 = tpu.memref_slice %arg6[%dma_wait3A_474, %dma_wait3A_475] : memref<640x128xf32, #tpu.memory_space<vmem>> -> memref<512x128xf32, #tpu.memory_space<vmem>>
    tpu.wait_dma2 semaphore(%arg8 : memref<!tpu.dma_semaphore, #tpu.memory_space<semaphore_mem>>) src(%dma_wait3A_476 : memref<512x128xf32, #tpu.memory_space<vmem>>) dst(%dma_wait3A_473 : memref<512x128xf32, #tpu.memory_space<hbm>>)
    %lt3A_477 = arith.constant 16 : i32
    %lt3A_478 = arith.cmpi slt, %add3A, %lt3A_477 : i32
    %convert_element_type3A = arith.extui %lt3A_478 : i1 to i32
    %cond3A = arith.constant 0 : i32
    %cond3A_479 = arith.cmpi ne, %convert_element_type3A, %cond3A : i32
    scf.if %cond3A_479 {
      %mul3A_480 = arith.constant 128 : i32
      %mul3A_481 = arith.muli %add3A_11, %mul3A_480 : i32
      "tpu.region"() ({
        %run_scoped3A = tpu.sem_alloc : memref<!tpu.dma_semaphore, #tpu.memory_space<semaphore_mem>>
        %dma_start3A_482 = arith.constant 512 : i32
        %dma_start3A_483 = arith.constant 0 : i32
        %dma_start3A_484 = tpu.memref_slice %arg6[%dma_start3A_482, %dma_start3A_483] : memref<640x128xf32, #tpu.memory_space<vmem>> -> memref<128x128xf32, #tpu.memory_space<vmem>>
        %dma_start3A_485 = arith.constant 0 : i32
        %dma_start3A_486 = tpu.memref_slice %arg4[%mul3A_481, %dma_start3A_485] : memref<18432x128xf32, #tpu.memory_space<hbm>> -> memref<128x128xf32, #tpu.memory_space<hbm>>
        %dma_start3A_487 = arith.constant 0 : i32
        %dma_start3A_488 = tpu.memref_slice %arg4[%mul3A_481, %dma_start3A_487] : memref<18432x128xf32, #tpu.memory_space<hbm>> -> memref<128x128xf32, #tpu.memory_space<hbm>>
        %dma_start3A_489 = arith.constant 512 : i32
        %dma_start3A_490 = arith.constant 0 : i32
        %dma_start3A_491 = tpu.memref_slice %arg6[%dma_start3A_489, %dma_start3A_490] : memref<640x128xf32, #tpu.memory_space<vmem>> -> memref<128x128xf32, #tpu.memory_space<vmem>>
        tpu.enqueue_dma source(%dma_start3A_491 : memref<128x128xf32, #tpu.memory_space<vmem>>) target(%dma_start3A_488 : memref<128x128xf32, #tpu.memory_space<hbm>>) target_semaphore(%run_scoped3A : memref<!tpu.dma_semaphore, #tpu.memory_space<semaphore_mem>>)
        %dma_wait3A_492 = arith.constant 512 : i32
        %dma_wait3A_493 = arith.constant 0 : i32
        %dma_wait3A_494 = tpu.memref_slice %arg6[%dma_wait3A_492, %dma_wait3A_493] : memref<640x128xf32, #tpu.memory_space<vmem>> -> memref<128x128xf32, #tpu.memory_space<vmem>>
        %dma_wait3A_495 = arith.constant 0 : i32
        %dma_wait3A_496 = tpu.memref_slice %arg4[%mul3A_481, %dma_wait3A_495] : memref<18432x128xf32, #tpu.memory_space<hbm>> -> memref<128x128xf32, #tpu.memory_space<hbm>>
        %dma_wait3A_497 = arith.constant 0 : i32
        %dma_wait3A_498 = tpu.memref_slice %arg4[%mul3A_481, %dma_wait3A_497] : memref<18432x128xf32, #tpu.memory_space<hbm>> -> memref<128x128xf32, #tpu.memory_space<hbm>>
        %dma_wait3A_499 = arith.constant 512 : i32
        %dma_wait3A_500 = arith.constant 0 : i32
        %dma_wait3A_501 = tpu.memref_slice %arg6[%dma_wait3A_499, %dma_wait3A_500] : memref<640x128xf32, #tpu.memory_space<vmem>> -> memref<128x128xf32, #tpu.memory_space<vmem>>
        tpu.wait_dma2 semaphore(%run_scoped3A : memref<!tpu.dma_semaphore, #tpu.memory_space<semaphore_mem>>) src(%dma_wait3A_501 : memref<128x128xf32, #tpu.memory_space<vmem>>) dst(%dma_wait3A_498 : memref<128x128xf32, #tpu.memory_space<hbm>>)
        tpu.yield
      }) : () -> ()
    } else {
    }
    return
  }
}

module attributes {stable_mosaic.version = 14 : i64} {
  func.func @_dist_argmin_body(%arg0: i32, %arg1: memref<4x576x64xf32, #tpu.memory_space<vmem>>, %arg2: memref<1x1024xf32, #tpu.memory_space<vmem>>, %arg3: memref<1024x64xf32, #tpu.memory_space<vmem>>, %arg4: memref<1x18x128xi32, #tpu.memory_space<vmem>>, %arg5: memref<1x1xf32, #tpu.memory_space<smem>>) attributes {dimension_semantics = [#tpu.dimension_semantics<arbitrary>], iteration_bounds = array<i64: 8>, scalar_prefetch = 0 : i64, scratch_operands = 0 : i64, tpu.core_type = #tpu.core_type<tc>, window_params = [{transform_indices = @transform_0, window_bounds = array<i64: 4, 576, 64>}, {pipeline_mode = #tpu.pipeline_mode<synchronous>, transform_indices = @transform_1, window_bounds = array<i64: 1, 1024>}, {pipeline_mode = #tpu.pipeline_mode<synchronous>, transform_indices = @transform_2, window_bounds = array<i64: 1024, 64>}, {transform_indices = @transform_3, window_bounds = array<i64: 1, 18, 128>}, {transform_indices = @transform_4, window_bounds = array<i64: 1, 1>}]} {
    %get3A = arith.constant 0 : index
    %get3A_0 = arith.constant 0 : index
    %get3A_1 = arith.constant 0 : index
    %get3A_2 = vector.load %arg1[%get3A, %get3A_0, %get3A_1] : memref<4x576x64xf32, #tpu.memory_space<vmem>>, vector<4x576x64xf32>
    %reshape3A = vector.shape_cast %get3A_2 : vector<4x576x64xf32> to vector<2304x64xf32>
    %get3A_3 = arith.constant 0 : index
    %get3A_4 = arith.constant 0 : index
    %get3A_5 = vector.load %arg3[%get3A_3, %get3A_4] : memref<1024x64xf32, #tpu.memory_space<vmem>>, vector<1024x64xf32>
    %dot_general3A = arith.constant dense<0.000000e+00> : vector<2304x1024xf32>
    %dot_general3A_6 = tpu.matmul %reshape3A, %get3A_5, %dot_general3A {dimension_numbers = #tpu.dot_dimension_numbers<[1], [1], [0], [0], [0, 0, 1, 0], [], []>, transpose_lhs_hint = false} : vector<2304x64xf32>, vector<1024x64xf32>, vector<2304x1024xf32> -> vector<2304x1024xf32>
    %integer_pow3A = arith.mulf %reshape3A, %reshape3A : vector<2304x64xf32>
    %reduce_sum3A = arith.constant dense<0.000000e+00> : vector<2304xf32>
    %reduce_sum3A_7 = vector.multi_reduction <add>, %integer_pow3A, %reduce_sum3A [1] : vector<2304x64xf32> to vector<2304xf32>
    %broadcast_in_dim3A = vector.shape_cast %reduce_sum3A_7 : vector<2304xf32> to vector<2304x1xf32>
    %get3A_8 = arith.constant 0 : index
    %get3A_9 = arith.constant 0 : index
    %get3A_10 = vector.load %arg2[%get3A_8, %get3A_9] : memref<1x1024xf32, #tpu.memory_space<vmem>>, vector<1x1024xf32>
    %slice3A = vector.extract_strided_slice %get3A_10 {offsets = [0, 0], sizes = [1, 128], strides = [1, 1]} : vector<1x1024xf32> to vector<1x128xf32>
    %add3A = vector.broadcast %broadcast_in_dim3A : vector<2304x1xf32> to vector<2304x128xf32>
    %add3A_11 = vector.broadcast %slice3A : vector<1x128xf32> to vector<2304x128xf32>
    %add3A_12 = arith.addf %add3A, %add3A_11 : vector<2304x128xf32>
    %slice3A_13 = vector.extract_strided_slice %dot_general3A_6 {offsets = [0, 0], sizes = [2304, 128], strides = [1, 1]} : vector<2304x1024xf32> to vector<2304x128xf32>
    %sub3A = arith.subf %add3A_12, %slice3A_13 : vector<2304x128xf32>
    %broadcast_in_dim3A_14 = arith.constant 0 : i32
    %broadcast_in_dim3A_15 = vector.broadcast %broadcast_in_dim3A_14 : i32 to vector<2304x128xi32>
    %slice3A_16 = vector.extract_strided_slice %get3A_10 {offsets = [0, 128], sizes = [1, 128], strides = [1, 1]} : vector<1x1024xf32> to vector<1x128xf32>
    %add3A_17 = vector.broadcast %broadcast_in_dim3A : vector<2304x1xf32> to vector<2304x128xf32>
    %add3A_18 = vector.broadcast %slice3A_16 : vector<1x128xf32> to vector<2304x128xf32>
    %add3A_19 = arith.addf %add3A_17, %add3A_18 : vector<2304x128xf32>
    %slice3A_20 = vector.extract_strided_slice %dot_general3A_6 {offsets = [0, 128], sizes = [2304, 128], strides = [1, 1]} : vector<2304x1024xf32> to vector<2304x128xf32>
    %sub3A_21 = arith.subf %add3A_19, %slice3A_20 : vector<2304x128xf32>
    %lt3A = arith.cmpf olt, %sub3A_21, %sub3A : vector<2304x128xf32>
    %select_n3A = arith.select %lt3A, %sub3A_21, %sub3A : vector<2304x128xi1>, vector<2304x128xf32>
    %jit3A = arith.constant 1 : i32
    %broadcast_in_dim3A_22 = vector.broadcast %jit3A : i32 to vector<2304x128xi32>
    %select_n3A_23 = arith.select %lt3A, %broadcast_in_dim3A_22, %broadcast_in_dim3A_15 : vector<2304x128xi1>, vector<2304x128xi32>
    %slice3A_24 = vector.extract_strided_slice %get3A_10 {offsets = [0, 256], sizes = [1, 128], strides = [1, 1]} : vector<1x1024xf32> to vector<1x128xf32>
    %add3A_25 = vector.broadcast %broadcast_in_dim3A : vector<2304x1xf32> to vector<2304x128xf32>
    %add3A_26 = vector.broadcast %slice3A_24 : vector<1x128xf32> to vector<2304x128xf32>
    %add3A_27 = arith.addf %add3A_25, %add3A_26 : vector<2304x128xf32>
    %slice3A_28 = vector.extract_strided_slice %dot_general3A_6 {offsets = [0, 256], sizes = [2304, 128], strides = [1, 1]} : vector<2304x1024xf32> to vector<2304x128xf32>
    %sub3A_29 = arith.subf %add3A_27, %slice3A_28 : vector<2304x128xf32>
    %lt3A_30 = arith.cmpf olt, %sub3A_29, %select_n3A : vector<2304x128xf32>
    %select_n3A_31 = arith.select %lt3A_30, %sub3A_29, %select_n3A : vector<2304x128xi1>, vector<2304x128xf32>
    %jit3A_32 = arith.constant 2 : i32
    %broadcast_in_dim3A_33 = vector.broadcast %jit3A_32 : i32 to vector<2304x128xi32>
    %select_n3A_34 = arith.select %lt3A_30, %broadcast_in_dim3A_33, %select_n3A_23 : vector<2304x128xi1>, vector<2304x128xi32>
    %slice3A_35 = vector.extract_strided_slice %get3A_10 {offsets = [0, 384], sizes = [1, 128], strides = [1, 1]} : vector<1x1024xf32> to vector<1x128xf32>
    %add3A_36 = vector.broadcast %broadcast_in_dim3A : vector<2304x1xf32> to vector<2304x128xf32>
    %add3A_37 = vector.broadcast %slice3A_35 : vector<1x128xf32> to vector<2304x128xf32>
    %add3A_38 = arith.addf %add3A_36, %add3A_37 : vector<2304x128xf32>
    %slice3A_39 = vector.extract_strided_slice %dot_general3A_6 {offsets = [0, 384], sizes = [2304, 128], strides = [1, 1]} : vector<2304x1024xf32> to vector<2304x128xf32>
    %sub3A_40 = arith.subf %add3A_38, %slice3A_39 : vector<2304x128xf32>
    %lt3A_41 = arith.cmpf olt, %sub3A_40, %select_n3A_31 : vector<2304x128xf32>
    %select_n3A_42 = arith.select %lt3A_41, %sub3A_40, %select_n3A_31 : vector<2304x128xi1>, vector<2304x128xf32>
    %jit3A_43 = arith.constant 3 : i32
    %broadcast_in_dim3A_44 = vector.broadcast %jit3A_43 : i32 to vector<2304x128xi32>
    %select_n3A_45 = arith.select %lt3A_41, %broadcast_in_dim3A_44, %select_n3A_34 : vector<2304x128xi1>, vector<2304x128xi32>
    %slice3A_46 = vector.extract_strided_slice %get3A_10 {offsets = [0, 512], sizes = [1, 128], strides = [1, 1]} : vector<1x1024xf32> to vector<1x128xf32>
    %add3A_47 = vector.broadcast %broadcast_in_dim3A : vector<2304x1xf32> to vector<2304x128xf32>
    %add3A_48 = vector.broadcast %slice3A_46 : vector<1x128xf32> to vector<2304x128xf32>
    %add3A_49 = arith.addf %add3A_47, %add3A_48 : vector<2304x128xf32>
    %slice3A_50 = vector.extract_strided_slice %dot_general3A_6 {offsets = [0, 512], sizes = [2304, 128], strides = [1, 1]} : vector<2304x1024xf32> to vector<2304x128xf32>
    %sub3A_51 = arith.subf %add3A_49, %slice3A_50 : vector<2304x128xf32>
    %lt3A_52 = arith.cmpf olt, %sub3A_51, %select_n3A_42 : vector<2304x128xf32>
    %select_n3A_53 = arith.select %lt3A_52, %sub3A_51, %select_n3A_42 : vector<2304x128xi1>, vector<2304x128xf32>
    %jit3A_54 = arith.constant 4 : i32
    %broadcast_in_dim3A_55 = vector.broadcast %jit3A_54 : i32 to vector<2304x128xi32>
    %select_n3A_56 = arith.select %lt3A_52, %broadcast_in_dim3A_55, %select_n3A_45 : vector<2304x128xi1>, vector<2304x128xi32>
    %slice3A_57 = vector.extract_strided_slice %get3A_10 {offsets = [0, 640], sizes = [1, 128], strides = [1, 1]} : vector<1x1024xf32> to vector<1x128xf32>
    %add3A_58 = vector.broadcast %broadcast_in_dim3A : vector<2304x1xf32> to vector<2304x128xf32>
    %add3A_59 = vector.broadcast %slice3A_57 : vector<1x128xf32> to vector<2304x128xf32>
    %add3A_60 = arith.addf %add3A_58, %add3A_59 : vector<2304x128xf32>
    %slice3A_61 = vector.extract_strided_slice %dot_general3A_6 {offsets = [0, 640], sizes = [2304, 128], strides = [1, 1]} : vector<2304x1024xf32> to vector<2304x128xf32>
    %sub3A_62 = arith.subf %add3A_60, %slice3A_61 : vector<2304x128xf32>
    %lt3A_63 = arith.cmpf olt, %sub3A_62, %select_n3A_53 : vector<2304x128xf32>
    %select_n3A_64 = arith.select %lt3A_63, %sub3A_62, %select_n3A_53 : vector<2304x128xi1>, vector<2304x128xf32>
    %jit3A_65 = arith.constant 5 : i32
    %broadcast_in_dim3A_66 = vector.broadcast %jit3A_65 : i32 to vector<2304x128xi32>
    %select_n3A_67 = arith.select %lt3A_63, %broadcast_in_dim3A_66, %select_n3A_56 : vector<2304x128xi1>, vector<2304x128xi32>
    %slice3A_68 = vector.extract_strided_slice %get3A_10 {offsets = [0, 768], sizes = [1, 128], strides = [1, 1]} : vector<1x1024xf32> to vector<1x128xf32>
    %add3A_69 = vector.broadcast %broadcast_in_dim3A : vector<2304x1xf32> to vector<2304x128xf32>
    %add3A_70 = vector.broadcast %slice3A_68 : vector<1x128xf32> to vector<2304x128xf32>
    %add3A_71 = arith.addf %add3A_69, %add3A_70 : vector<2304x128xf32>
    %slice3A_72 = vector.extract_strided_slice %dot_general3A_6 {offsets = [0, 768], sizes = [2304, 128], strides = [1, 1]} : vector<2304x1024xf32> to vector<2304x128xf32>
    %sub3A_73 = arith.subf %add3A_71, %slice3A_72 : vector<2304x128xf32>
    %lt3A_74 = arith.cmpf olt, %sub3A_73, %select_n3A_64 : vector<2304x128xf32>
    %select_n3A_75 = arith.select %lt3A_74, %sub3A_73, %select_n3A_64 : vector<2304x128xi1>, vector<2304x128xf32>
    %jit3A_76 = arith.constant 6 : i32
    %broadcast_in_dim3A_77 = vector.broadcast %jit3A_76 : i32 to vector<2304x128xi32>
    %select_n3A_78 = arith.select %lt3A_74, %broadcast_in_dim3A_77, %select_n3A_67 : vector<2304x128xi1>, vector<2304x128xi32>
    %slice3A_79 = vector.extract_strided_slice %get3A_10 {offsets = [0, 896], sizes = [1, 128], strides = [1, 1]} : vector<1x1024xf32> to vector<1x128xf32>
    %add3A_80 = vector.broadcast %broadcast_in_dim3A : vector<2304x1xf32> to vector<2304x128xf32>
    %add3A_81 = vector.broadcast %slice3A_79 : vector<1x128xf32> to vector<2304x128xf32>
    %add3A_82 = arith.addf %add3A_80, %add3A_81 : vector<2304x128xf32>
    %slice3A_83 = vector.extract_strided_slice %dot_general3A_6 {offsets = [0, 896], sizes = [2304, 128], strides = [1, 1]} : vector<2304x1024xf32> to vector<2304x128xf32>
    %sub3A_84 = arith.subf %add3A_82, %slice3A_83 : vector<2304x128xf32>
    %lt3A_85 = arith.cmpf olt, %sub3A_84, %select_n3A_75 : vector<2304x128xf32>
    %select_n3A_86 = arith.select %lt3A_85, %sub3A_84, %select_n3A_75 : vector<2304x128xi1>, vector<2304x128xf32>
    %jit3A_87 = arith.constant 7 : i32
    %broadcast_in_dim3A_88 = vector.broadcast %jit3A_87 : i32 to vector<2304x128xi32>
    %select_n3A_89 = arith.select %lt3A_85, %broadcast_in_dim3A_88, %select_n3A_78 : vector<2304x128xi1>, vector<2304x128xi32>
    %reduce_min3A = arith.constant dense<0x7F800000> : vector<2304xf32>
    %reduce_min3A_90 = vector.multi_reduction <minimumf>, %select_n3A_86, %reduce_min3A [1] : vector<2304x128xf32> to vector<2304xf32>
    %broadcast_in_dim3A_91 = vector.shape_cast %reduce_min3A_90 : vector<2304xf32> to vector<2304x1xf32>
    %iota3A = tpu.iota {dimensions = array<i32: 1>} : vector<2304x128xi32>
    %mul3A = arith.constant 128 : i32
    %mul3A_92 = vector.broadcast %mul3A : i32 to vector<2304x128xi32>
    %mul3A_93 = arith.muli %select_n3A_89, %mul3A_92 : vector<2304x128xi32>
    %add3A_94 = arith.addi %mul3A_93, %iota3A : vector<2304x128xi32>
    %eq3A = vector.broadcast %broadcast_in_dim3A_91 : vector<2304x1xf32> to vector<2304x128xf32>
    %eq3A_95 = arith.cmpf oeq, %select_n3A_86, %eq3A : vector<2304x128xf32>
    %jit3A_96 = arith.constant 1024 : i32
    %broadcast_in_dim3A_97 = vector.broadcast %jit3A_96 : i32 to vector<2304x128xi32>
    %select_n3A_98 = arith.select %eq3A_95, %add3A_94, %broadcast_in_dim3A_97 : vector<2304x128xi1>, vector<2304x128xi32>
    %reduce_min3A_99 = arith.constant dense<2147483647> : vector<2304xi32>
    %reduce_min3A_100 = vector.multi_reduction <minsi>, %select_n3A_98, %reduce_min3A_99 [1] : vector<2304x128xi32> to vector<2304xi32>
    %broadcast_in_dim3A_101 = vector.shape_cast %reduce_min3A_100 : vector<2304xi32> to vector<2304x1xi32>
    %reshape3A_102 = vector.shape_cast %broadcast_in_dim3A_101 : vector<2304x1xi32> to vector<1x18x128xi32>
    %swap3A = arith.constant 0 : index
    %swap3A_103 = arith.constant 0 : index
    %swap3A_104 = arith.constant 0 : index
    %swap3A_105 = vector.load %arg4[%swap3A, %swap3A_103, %swap3A_104] : memref<1x18x128xi32, #tpu.memory_space<vmem>>, vector<1x18x128xi32>
    tpu.vector_store %arg4[%swap3A, %swap3A_103, %swap3A_104], %reshape3A_102 {strides = array<i32>} : memref<1x18x128xi32, #tpu.memory_space<vmem>>, vector<1x18x128xi32>,
    %eq3A_106 = arith.constant 0 : i32
    %eq3A_107 = arith.cmpi eq, %arg0, %eq3A_106 : i32
    %convert_element_type3A = arith.extui %eq3A_107 : i1 to i32
    %cond3A = arith.constant 0 : i32
    %cond3A_108 = arith.cmpi ne, %convert_element_type3A, %cond3A : i32
    scf.if %cond3A_108 {
      %swap3A_121 = arith.constant 0.000000e+00 : f32
      %swap3A_122 = arith.constant 0 : index
      %swap3A_123 = arith.constant 0 : index
      %swap3A_124 = memref.load %arg5[%swap3A_122, %swap3A_123] : memref<1x1xf32, #tpu.memory_space<smem>>
      memref.store %swap3A_121, %arg5[%swap3A_122, %swap3A_123] : memref<1x1xf32, #tpu.memory_space<smem>>
    } else {
    }
    %get3A_109 = arith.constant 0 : index
    %get3A_110 = arith.constant 0 : index
    %get3A_111 = memref.load %arg5[%get3A_109, %get3A_110] : memref<1x1xf32, #tpu.memory_space<smem>>
    %reduce_sum3A_112 = vector.shape_cast %broadcast_in_dim3A_91 : vector<2304x1xf32> to vector<1x2304x1xf32>
    %reduce_sum3A_113 = arith.constant dense<0.000000e+00> : vector<1xf32>
    %reduce_sum3A_114 = vector.multi_reduction <add>, %reduce_sum3A_112, %reduce_sum3A_113 [1, 2] : vector<1x2304x1xf32> to vector<1xf32>
    %reduce_sum3A_115 = vector.shape_cast %reduce_sum3A_114 : vector<1xf32> to vector<1x1x1xf32>
    %reduce_sum3A_116 = vector.extract %reduce_sum3A_115[0, 0, 0] : f32 from vector<1x1x1xf32>
    %add3A_117 = arith.addf %get3A_111, %reduce_sum3A_116 : f32
    %swap3A_118 = arith.constant 0 : index
    %swap3A_119 = arith.constant 0 : index
    %swap3A_120 = memref.load %arg5[%swap3A_118, %swap3A_119] : memref<1x1xf32, #tpu.memory_space<smem>>
    memref.store %add3A_117, %arg5[%swap3A_118, %swap3A_119] : memref<1x1xf32, #tpu.memory_space<smem>>
    return
  }
  func.func @transform_0(%arg0: i32) -> (i32, i32, i32) {
    %c0_i32 = arith.constant 0 : i32
    %c0_i32_0 = arith.constant 0 : i32
    %c0_i32_1 = arith.constant 0 : i32
    return %arg0, %c0_i32, %c0_i32_0 : i32, i32, i32
  }
  func.func @transform_1(%arg0: i32) -> (i32, i32) {
    %c0_i32 = arith.constant 0 : i32
    %c0_i32_0 = arith.constant 0 : i32
    %c0_i32_1 = arith.constant 0 : i32
    return %c0_i32, %c0_i32_0 : i32, i32
  }
  func.func @transform_2(%arg0: i32) -> (i32, i32) {
    %c0_i32 = arith.constant 0 : i32
    %c0_i32_0 = arith.constant 0 : i32
    %c0_i32_1 = arith.constant 0 : i32
    return %c0_i32, %c0_i32_0 : i32, i32
  }
  func.func @transform_3(%arg0: i32) -> (i32, i32, i32) {
    %c0_i32 = arith.constant 0 : i32
    %c0_i32_0 = arith.constant 0 : i32
    %c0_i32_1 = arith.constant 0 : i32
    return %arg0, %c0_i32, %c0_i32_0 : i32, i32, i32
  }
  func.func @transform_4(%arg0: i32) -> (i32, i32) {
    %c0_i32 = arith.constant 0 : i32
    %c0_i32_0 = arith.constant 0 : i32
    %c0_i32_1 = arith.constant 0 : i32
    return %c0_i32, %c0_i32_0 : i32, i32
  }
}

</mosaic_0001>

<sc_bundles>
// kernel: kernel.4.cloned.1.call-start
scs
__scs_entry_jumppad:
0x0: {  	(pc) =	sbr.rel $0x88, $3  }
0x1: {  	(tag) =	ssettag $0x0;
	lr =	simm.s32 $0x1  }
0x2: {  	[smem:$0x3F9F] =	sst lr;
	_ =	strace $0xD0000000  }
0x3: {  	_ = 	snop  }
0x4: {  	_ = 	snop  }
0x5: {  	_ = 	snop  }
0x6: {  	_ = 	snop  }
0x7: {  	_ = 	snop  }
__scs_overlays_trampoline_lowered:
0x8: {  	[smem:$0x3FAE] =	sst s0  }
0x9: {  	[smem:$0x3FAF] =	sst s1  }
0xa: {  	[smem:$0x3FB0] =	sst s2  }
0xb: {  	[smem:$0x3FB1] =	sst s3  }
0xc: {  	[smem:$0x3FB2] =	sst s4  }
0xd: {  	[smem:$0x3FB3] =	sst s5  }
0xe: {  	[smem:$0x3FB4] =	sst s6  }
0xf: {  	[smem:$0x3FB5] =	sst s7  }
0x10: {  	[smem:$0x3FB6] =	sst s8  }
0x11: {  	[smem:$0x3FB7] =	sst s9;
	s0 =	simm.s32 @!p0 $0x0  }
0x12: {  	s1 =	sld [smem:$0x3F9D];
	s0 =	simm.s32 @p0 $0x1  }
0x13: {  	[smem:$0x3FB8] =	sst s0;
	s0 =	simm.s32 @!p1 $0x0  }
0x14: {  	s2 =	sld [smem:$0x3F9C];
	s0 =	simm.s32 @p1 $0x1  }
0x15: {  	[smem:$0x3FB9] =	sst s0;
	s0 =	simm.s32 @!p2 $0x0  }
0x16: {  	s3 =	sld [smem:$0x3FDB];
	s0 =	simm.s32 @p2 $0x1  }
0x17: {  	s4 =	simm.s32 $0x1BF5;
	[smem:$0x3FBB] =	sst s0  }
0x18: {  	s0 =	sld [smem:$0x3F9E];
	_ =	swait.ge [sflag:s4], $0x0  }
0x19: {  	s7 =	sld [smem:$0x3F9F]  }
0x1a: {  	s8 =	sadd.s32 $0xFFFFE003, lr  }
0x1b: {  	s9 =	sadd.s32 $0xFFFFFEF7, lr;
	s5 =	simm.s32 $0xFFFFFFFF;
	p2 =	slt.u32 s8, $0xFFFFF086  }
0x1c: {  	p1 =	slt.u32 s9, $0xF7A;
	s5 =	simm.s32 @!p2 $0x0  }
0x1d: {  	s5 =	simm.s32 @p1 $0x1;
	p0 =	seq.s32 s7, s2  }
0x1e: {  	s7 =	smul.u32 @!p0 $0xF7A, s2;
	p2 =	seq.s32 @!p0 s5, $0x0  }
0x1f: {  	s9 =	smul.u32 $0xF7A, s1;
	s8 =	simm.s32 @!p0 $0x1BF5;
	p2 =	por !p2, p0  }
0x20: {  	[sflag:s8] =	ssyncset.s32 @!p0 $0xFFFFF086;
	s6 =	sadd.s32 @!p0 s3, s7;
	s7 =	simm.s32 @!p0 $0x108  }
0x21: {  	s3 =	sadd.s32 s3, s9;
	s6 =	sadd.s32 @!p0 $0x88, s6;
	s7 =	simm.s32 @p2 $0x1082  }
0x22: {  	[simem:s7], [sflag:s8] =	dma.local @!p0 [hbm:s6], $0xF7A  }
0x23: {  	s9 =	sor.u32 $0xD0000000, s2;
	s6 =	simm.s32 $0x108;
	_ =	swait.ge @!p0 [sflag:s8], $0x0  }
0x24: {  	s3 =	sadd.s32 $0x88, s3;
	s6 =	simm.s32 @!p1 $0x1082;
	[sflag:s4] =	ssyncset.s32 $0xFFFFF086  }
0x25: {  	[simem:s6], [sflag:s4] =	dma.local [hbm:s3], $0xF7A  }
0x26: {  	[smem:$0x3F9F] =	sst s1;
	(tag) =	ssettag s2;
	_ =	strace s9  }
0x27: {  	s1 =	sld [smem:$0x3FAF]  }
0x28: {  	s2 =	sld [smem:$0x3FB0]  }
0x29: {  	s4 =	sld [smem:$0x3FB2]  }
0x2a: {  	p0 =	seq.s32 s5, $0x0;
	s5 =	sld [smem:$0x3FB3]  }
0x2b: {  	s6 =	sld [smem:$0x3FB4]  }
0x2c: {  	s7 =	sld [smem:$0x3FB5]  }
0x2d: {  	s3 =	simm.s32 $0x108;
	s8 =	sld [smem:$0x3FB6]  }
0x2e: {  	s3 =	simm.s32 @!p0 $0x1082;
	s9 =	sld [smem:$0x3FB7]  }
0x2f: {  	lr =	sadd.s32 s0, s3;
	s0 =	sld [smem:$0x3FAE]  }
0x30: {  	s3 =	sld [smem:$0x3FB1]  }
0x31: {  	[smem:$0x3FBA] =	sst s10  }
0x32: {  	s10 =	sld [smem:$0x3FB8];
	_ =	sdelay $0x3  }
0x33: {  	p0 =	seq.s32 s10, $0x1;
	s10 =	sld [smem:$0x3FBA];
	_ =	sdelay $0x3  }
0x34: {  	[smem:$0x3FBA] =	sst s10  }
0x35: {  	s10 =	sld [smem:$0x3FB9];
	_ =	sdelay $0x3  }
0x36: {  	p1 =	seq.s32 s10, $0x1;
	s10 =	sld [smem:$0x3FBA];
	_ =	sdelay $0x3  }
0x37: {  	[smem:$0x3FBA] =	sst s10  }
0x38: {  	s10 =	sld [smem:$0x3FBB]  }
0x39: {  	_ = 	snop;
	(pc) =	sbr.ind lr, $3  }
0x3a: {  	_ = 	snop  }
0x3b: {  	_ = 	snop  }
0x3c: {  	p2 =	seq.s32 s10, $0x1;
	s10 =	sld [smem:$0x3FBA]  }
0x3d: {  	_ =	shalt  }
0x3e: {  	_ =	shalt  }
0x3f: {  	_ =	shalt  }
0x40: {  	_ =	shalt  }
0x41: {  	_ =	shalt  }
0x42: {  	_ =	shalt  }
0x43: {  	_ =	shalt  }
0x44: {  	_ =	shalt  }
0x45: {  	_ =	shalt  }
0x46: {  	_ =	shalt  }
0x47: {  	_ =	shalt  }
0x48: {  	_ =	shalt  }
0x49: {  	_ =	shalt  }
0x4a: {  	_ =	shalt  }
0x4b: {  	_ =	shalt  }
0x4c: {  	_ =	shalt  }
0x4d: {  	_ =	shalt  }
0x4e: {  	_ =	shalt  }
0x4f: {  	_ =	shalt  }
0x50: {  	_ =	shalt  }
0x51: {  	_ =	shalt  }
0x52: {  	_ =	shalt  }
0x53: {  	_ =	shalt  }
0x54: {  	_ =	shalt  }
0x55: {  	_ =	shalt  }
0x56: {  	_ =	shalt  }
0x57: {  	_ =	shalt  }
0x58: {  	_ =	shalt  }
0x59: {  	_ =	shalt  }
0x5a: {  	_ =	shalt  }
0x5b: {  	_ =	shalt  }
0x5c: {  	_ =	shalt  }
0x5d: {  	_ =	shalt  }
0x5e: {  	_ =	shalt  }
0x5f: {  	_ =	shalt  }
0x60: {  	_ =	shalt  }
0x61: {  	_ =	shalt  }
0x62: {  	_ =	shalt  }
0x63: {  	_ =	shalt  }
0x64: {  	_ =	shalt  }
0x65: {  	_ =	shalt  }
0x66: {  	_ =	shalt  }
0x67: {  	_ =	shalt  }
0x68: {  	_ =	shalt  }
0x69: {  	_ =	shalt  }
0x6a: {  	_ =	shalt  }
0x6b: {  	_ =	shalt  }
0x6c: {  	_ =	shalt  }
0x6d: {  	_ =	shalt  }
0x6e: {  	_ =	shalt  }
0x6f: {  	_ =	shalt  }
0x70: {  	_ =	shalt  }
0x71: {  	_ =	shalt  }
0x72: {  	_ =	shalt  }
0x73: {  	_ =	shalt  }
0x74: {  	_ =	shalt  }
0x75: {  	_ =	shalt  }
0x76: {  	_ =	shalt  }
0x77: {  	_ =	shalt  }
0x78: {  	_ =	shalt  }
0x79: {  	_ =	shalt  }
0x7a: {  	_ =	shalt  }
0x7b: {  	_ =	shalt  }
0x7c: {  	_ =	shalt  }
0x7d: {  	_ =	shalt  }
0x7e: {  	_ =	shalt  }
0x7f: {  	_ =	shalt  }
0x80: {  	_ =	shalt  }
0x81: {  	_ =	shalt  }
0x82: {  	_ =	shalt  }
0x83: {  	_ =	shalt  }
0x84: {  	_ =	shalt  }
0x85: {  	_ =	shalt  }
0x86: {  	_ =	shalt  }
0x87: {  	_ =	shalt  }
.Lfunc_end0:
.L_simem_size_0:
called_computation_lowered:
.L_overlay_start_0:
0x88: {  	s2 =	sld [smem:$0x3FD9]  }
0x89: {  	s3 =	sld [smem:$0x3FFE];
	_ =	sdelay $0x1  }
0x8a: {  	s1 =	srdreg.scid  }
0x8b: {  	s0 =	sand.u32 $0x1, s1  }
0x8c: {  	s14 =	sshll.u32 s0, $0xA;
	s2 =	sadd.s32 s3, s2  }
0x8d: {  	s2 =	sadd.s32 s2, s14  }
0x8e: {  	[smem:$0x3FC6] =	sst s2  }
0x8f: {  	_ = 	snop  }
0x90: {  	s2 =	sld [smem:$0x3FD0];
	_ =	sdelay $0x2  }
0x91: {  	s15 =	simm.s32 $0xA;
	s4 =	simm.s32 $0x10  }
0x92: {  	[smem:s4], [sflag:s15] =	dma.local [hbm:s2], $0x1  }
0x93: {  	_ =	swait.eq [sflag:s15], $0x1  }
0x94: {  	[sflag:s15] =	ssyncset.done $0x0  }
0x95: {  	[sflag:s15] =	ssyncadd.s32 $0xFFFFFFFF  }
0x96: {  	s16 =	sld [smem:$0x10];
	(tm) =	ssettm $0x1  }
0x97: {  	s17 =	sld [smem:$0x3FFB];
	_ =	sdelay $0x3  }
0x98: {  	_ =	strace s17  }
0x99: {  	s3 =	sld [smem:$0x3FFC];
	_ =	sdelay $0x3  }
0x9a: {  	_ =	strace s3  }
0x9b: {  	s3 =	sld [smem:$0x3FFD];
	_ =	sdelay $0x3  }
0x9c: {  	_ =	strace s3  }
0x9d: {  	_ =	strace $0x8FFFFFFF  }
0x9e: {  	s18 =	sld [smem:$0x3FDB];
	_ =	sdelay $0x1  }
0x9f: {  	s19 =	simm.s32 $_scs_section_size  }
0xa0: {  	s5 =	simm.s32 $_size__tile_overlayer_lowered;
	s6 =	simm.s32 $_tile_overlayer_lowered  }
0xa1: {  	s22 =	simm.s32 $0x1BFF;
	s21 =	sshll.u32 s6, $0x1;
	s3 =	sadd.s32 s19, s18  }
0xa2: {  	s7 =	simm.s32 $0x0;
	s20 =	sshll.u32 s5, $0x1;
	s5 =	sadd.s32 s21, s3  }
0xa3: {  	[timem:s7], [sflag:s22] =	dma.local [hbm:s5], s20  }
0xa4: {  	_ =	swait.ge [sflag:s22], s20  }
0xa5: {  	s4 =	ssub.s32 $0x0, s20;
	[sflag:s22] =	ssyncset.done $0x0  }
0xa6: {  	[sflag:s22] =	ssyncadd.s32 s4;
	_ =	sdelay $0x1  }
0xa7: {  	s23 =	simm.s32 $0x1B8B  }
0xa8: {  	_ =	swait.ge [sflag:s23], $0x1  }
0xa9: {  	[sflag:s23] =	ssyncset.done $0x0  }
0xaa: {  	s25 =	simm.s32 $0x1B8E;
	s24 =	sld [smem:$0x3FFE];
	[sflag:s23] =	ssyncadd.s32 $0xFFFFFFFF  }
0xab: {  	s26 =	simm.s32 $execute0_lowered;
	[smem:$0x3FD2] =	sst s25  }
0xac: {  	s5 =	sshll.u32 s26, $0x1;
	_ =	strace $0x80000046;
	[dreg:$0x1] =	wrdreg $0xFFFFFFFF  }
0xad: {  	s28 =	simm.s32 $_size_execute0_lowered;
	s3 =	sadd.s32 s3, s5;
	[dreg:$0x0] =	wrdreg $0x0  }
0xae: {  	s5 =	sshll.u32 s28, $0x1;
	[dreg:$0x2] =	wrdreg s3  }
0xaf: {  	[dreg:$0x3] =	wrdreg s5  }
0xb0: {  	[dreg:$0x4] =	wrdreg $0xC0  }
0xb1: {  	_ =	task [dreg:s7], $0x5FFFF  }
0xb2: {  	[dreg:$0x1] =	wrdreg $0xFFFFFFFF  }
0xb3: {  	[dreg:$0x0] =	wrdreg $0x60  }
0xb4: {  	[dreg:$0x2] =	wrdreg s16  }
0xb5: {  	[dreg:$0x3] =	wrdreg s24  }
0xb6: {  	[dreg:$0x4] =	wrdreg $0x9  }
0xb7: {  	_ =	task.clear_ibuf [dreg:s7], $0x5FFFF;
	_ =	strace $0x90000046  }
0xb8: {  	s29 =	simm.s32 $0x9;
	_ =	strace $0x80000048  }
0xb9: {  	_ =	swait.ge [sflag:s29], $0x1  }
0xba: {  	[sflag:s29] =	ssyncadd.s32 $0xFFFFFFFF  }
0xbb: {  	_ =	strace $0x90000048  }
0xbc: {  	_ =	sfence  }
0xbd: {  	s30 =	sld [smem:$0x0];
	_ =	sdelay $0x2  }
0xbe: {  	s31 =	sshll.u32 s1, $0xD;
	s1 =	sshrl.u32 s1, $0x2  }
0xbf: {  	s3 =	sand.u32 $0x4000, s31;
	s1 =	sadd.s32 s1, s30  }
0xc0: {  	s0 =	sor.u32 s3, s0;
	s1 =	sshll.u32 s1, $0x11  }
0xc1: {  	s0 =	sor.u32 s1, s0  }
0xc2: {  	s0 =	sadd.s32 $0x8F2B, s0  }
0xc3: {  	[sflag:s0] =	ssyncadd.remote.s32 $0x1  }
0xc4: {  	_ =	sfence.sel $0xFFFF  }
0xc5: {  	[dreg:$0x0] =	wrdreg $0xFFFFFFFF;
	(pc) =	sbr.abs _section_cstart, $3  }
0xc6: {  	[dreg:$0x1] =	wrdreg $0xFFFFFFFF  }
0xc7: {  	_ =	task.clear_ibuf [dreg:s7], $0x2FFFF;
	_ =	strace $0x9FFFFFFF  }
0xc8: {  	(tm) =	ssettm $0x7FFFFFFF  }
0xc9: {  	_ =	shalt  }
tec
execute0_lowered:
.L_overlay_start_1:
0x0: {  	(tag) =	ssettag $0x1  }
0x1: {  	s1 =	srdreg.scid;
	s0 =	stileid.u32  }
0x2: {  	s21 =	sand.u32 $0x1, s1;
	s22 =	sshll.u32 s0, $0x1  }
0x3: {  	s2 =	rddreg [dreg:$0x0];
	s20 =	sor.u32 s21, s22  }
0x4: {  	s3 =	smul.u32 $0xE4, s20;
	s5 =	sshll.u32 s20, $0x2;
	s29 =	sshllo.u32 s20, $0x2  }
0x5: {  	s1 =	rddreg [dreg:$0x2];
	s7 =	sor.u32 $0x1, s5;
	s13 =	smul.u32 $0x39, s29  }
0x6: {  	s22 =	rddreg [dreg:$0x1];
	s4 =	sshrl.u32 s3, $0xA;
	s8 =	smul.u32 $0x39, s7  }
0x7: {  	s9 =	sadd.s32 $0x400, s22;
	s3 =	simm.s32 $0x0;
	s6 =	smul.u32 $0x12, s4  }
0x8: {  	s10 =	sand.u32 $0xF, s20;
	[smem:$0x7FF] =	sst s3;
	s11 =	smul.u32 $0xC00, s4  }
0x9: {  	s31 =	sshrl.u32 s13, $0xA;
	s6 =	ssub.s32 s5, s6;
	s5 =	sor.u32 $0x2, s5  }
0xa: {  	_ =	strace $0x80000047;
	s6 =	sand.u32 $0xFE, s6;
	s12 =	smul.u32 $0x39, s5  }
0xb: {  	s24 =	sshrl.u32 s8, $0xA;
	s13 =	smul.u32 $0x12, s31;
	s23 =	sshll.u32 s6, $0x7  }
0xc: {  	s6 =	smul.u32 $0x12, s24;
	s25 =	sand.u32 $0xC00, s23;
	s26 =	sshrl.u32 s12, $0xA  }
0xd: {  	s4 =	sand.u32 $0x300, s23;
	s23 =	sor.u32 $0x80, s10;
	s28 =	smul.u32 $0x12, s26  }
0xe: {  	s10 =	ssub.s32 s29, s13;
	s6 =	ssub.s32 s7, s6;
	s7 =	smul.u32 $0xC00, s26  }
0xf: {  	s8 =	sadd.s32 s11, s25;
	s15 =	smul.u32 $0x39, s23;
	s10 =	sand.u32 $0xFF, s10  }
0x10: {  	s4 =	sor.u32 s4, s8;
	s6 =	sand.u32 $0xFF, s6;
	s8 =	smul.u32 $0xC00, s31  }
0x11: {  	s10 =	sshll.u32 s10, $0x7;
	s4 =	sshrl.u32 s4, $0x3;
	s6 =	sshll.u32 s6, $0x7  }
0x12: {  	s5 =	ssub.s32 s5, s28;
	s16 =	sshrl.u32 s15, $0xA;
	s18 =	sand.u32 $0xC00, s10  }
0x13: {  	s4 =	sadd.s32 s9, s4;
	s30 =	sand.u32 $0xC00, s6;
	s5 =	sand.u32 $0xFE, s5  }
0x14: {  	s6 =	sand.u32 $0x380, s6;
	s11 =	sadd.s32 s11, s30;
	s5 =	sshll.u32 s5, $0x7  }
0x15: {  	[tilespmem:s3], [sflag:$0x2] =	stream.linear.gather [hbm4b:s4+s3], $0x80, $0x38;
	[tilespmem:$0x14400] =	vst v63  }
0x16: {  	s6 =	sor.u32 s6, s11;
	s14 =	sand.u32 $0xC00, s5;
	s5 =	sand.u32 $0x300, s5  }
0x17: {  	s11 =	smul.u32 $0x12, s16;
	s6 =	sshrl.u32 s6, $0x3;
	s7 =	sadd.s32 s7, s14  }
0x18: {  	s19 =	sand.u32 $0x380, s10;
	s7 =	sor.u32 s5, s7;
	s5 =	sadd.s32 s9, s6  }
0x19: {  	s24 =	ssub.s32 s23, s11;
	s17 =	sshrl.u32 s7, $0x3;
	s7 =	sadd.s32 s8, s18  }
0x1a: {  	s25 =	sshll.u32 s24, $0x4;
	s8 =	simm.s32 $0x100;
	s7 =	sor.u32 s19, s7  }
0x1b: {  	s28 =	sand.u32 $0x180, s25;
	s26 =	sshrl.u32 s7, $0x3;
	s7 =	simm.s32 $0x80  }
0x1c: {  	[tilespmem:s7], [sflag:$0x2] =	stream.linear.gather [hbm4b:s5+s3], $0x80, $0x38;
	[tilespmem:$0x14400] =	vst v63  }
0x1d: {  	s6 =	sadd.s32 s9, s17;
	s29 =	sand.u32 $0x70, s25;
	s11 =	sadd.s32 s28, s9  }
0x1e: {  	[tilespmem:s8], [sflag:$0x2] =	stream.linear.gather [hbm4b:s6+s3], $0x80, $0x38;
	[tilespmem:$0x14400] =	vst v63  }
0x1f: {  	s10 =	simm.s32 $0x180;
	s9 =	sadd.s32 s9, s26;
	s11 =	sadd.s32 s29, s11  }
0x20: {  	[tilespmem:s10], [sflag:$0x2] =	stream.linear.gather [hbm4b:s9+s3], $0x80, $0x38;
	[tilespmem:$0x14400] =	vst v63  }
0x21: {  	s12 =	simm.s32 $0x200;
	s13 =	simm.s32 $0x2;
	s11 =	sadd.s32 $0xA80, s11  }
0x22: {  	[tilespmem:s12], [sflag:$0x2] =	stream.linear.gather [hbm4b:s11+s3], $0x80, $0x38;
	[tilespmem:$0x14400] =	vst v63  }
0x23: {  	_ =	swait.ge [sflag:s13], $0x80  }
0x24: {  	[sflag:s13] =	ssyncset.done $0x0  }
0x25: {  	[sflag:s13] =	ssyncadd.s32 $0xFFFFFF80  }
0x26: {  	_ =	swait.ge [sflag:s13], $0x80  }
0x27: {  	[sflag:s13] =	ssyncset.done $0x0  }
0x28: {  	[sflag:s13] =	ssyncadd.s32 $0xFFFFFF80  }
0x29: {  	_ =	swait.ge [sflag:s13], $0x80  }
0x2a: {  	[sflag:s13] =	ssyncset.done $0x0  }
0x2b: {  	[sflag:s13] =	ssyncadd.s32 $0xFFFFFF80  }
0x2c: {  	_ =	swait.ge [sflag:s13], $0x80  }
0x2d: {  	[sflag:s13] =	ssyncset.done $0x0  }
0x2e: {  	[sflag:s13] =	ssyncadd.s32 $0xFFFFFF80  }
0x2f: {  	_ =	swait.ge [sflag:s13], $0x80  }
0x30: {  	[sflag:s13] =	ssyncset.done $0x0  }
0x31: {  	s14 =	simm.s32 $0x400;
	[sflag:s13] =	ssyncadd.s32 $0xFFFFFF80  }
0x32: {  	[tilespmem:s14], [sflag:$0x1] =	stream.indirect.gather [hbm4b:s2+s7], $0x80, s3, s7, $0xb8;
	[tilespmem:$0x14400] =	vst v63  }
0x33: {  	s15 =	simm.s32 $0x4400  }
0x34: {  	[tilespmem:s15], [sflag:$0x1] =	stream.indirect.gather [hbm4b:s2+s7], $0x80, s7, s7, $0xb8;
	[tilespmem:$0x14400] =	vst v63  }
0x35: {  	s16 =	simm.s32 $0x8400  }
0x36: {  	[tilespmem:s16], [sflag:$0x1] =	stream.indirect.gather [hbm4b:s2+s7], $0x80, s8, s7, $0xb8;
	[tilespmem:$0x14400] =	vst v63  }
0x37: {  	s17 =	simm.s32 $0xC400  }
0x38: {  	[tilespmem:s17], [sflag:$0x1] =	stream.indirect.gather [hbm4b:s2+s7], $0x80, s10, s7, $0xb8;
	[tilespmem:$0x14400] =	vst v63  }
0x39: {  	s18 =	simm.s32 $0x10400;
	s19 =	simm.s32 $0x1  }
0x3a: {  	[tilespmem:s18], [sflag:$0x1] =	stream.indirect.gather [hbm4b:s2+s7], $0x80, s12, s7, $0xb8;
	[tilespmem:$0x14400] =	vst v63  }
0x3b: {  	_ =	swait.ge [sflag:s19], $0x4000  }
0x3c: {  	[sflag:s19] =	ssyncset.done $0x0  }
0x3d: {  	[sflag:s19] =	ssyncadd.s32 $0xFFFFC000  }
0x3e: {  	_ =	swait.ge [sflag:s19], $0x4000  }
0x3f: {  	[sflag:s19] =	ssyncset.done $0x0  }
0x40: {  	[sflag:s19] =	ssyncadd.s32 $0xFFFFC000  }
0x41: {  	_ =	swait.ge [sflag:s19], $0x4000  }
0x42: {  	[sflag:s19] =	ssyncset.done $0x0  }
0x43: {  	[sflag:s19] =	ssyncadd.s32 $0xFFFFC000  }
0x44: {  	_ =	swait.ge [sflag:s19], $0x4000  }
0x45: {  	p0 =	sgt.u32 s0, $0x7;
	s21 =	ssub.s32 $0x2, s21;
	[sflag:s19] =	ssyncset.done $0x0  }
0x46: {  	s22 =	sadd.s32 $0x1000, s22;
	s24 =	sshrl.u32 s21, $0x1;
	[sflag:s19] =	ssyncadd.s32 $0xFFFFC000  }
0x47: {  	s20 =	sshll.u32 s20, $0xD;
	s24 =	ssub.s32 s21, s24;
	_ =	swait.ge [sflag:s19], $0x4000  }
0x48: {  	s20 =	sadd.s32 s22, s20;
	s31 =	smax.u32 s24, $0x1;
	[sflag:s19] =	ssyncset.done $0x0  }
0x49: {  	s30 =	sshll.u32 s23, $0xB;
	s23 =	sadd.s32 $0xFFFFFFFF, s31;
	[sflag:s19] =	ssyncadd.s32 $0xFFFFC000  }
0x4a: {  	[hbm4b:s20+s3] =	stream.linear.scatter [tilespmem:s14], [sflag:$0x2], $0x10000, $0x38;
	[tilespmem:$0x14400] =	vst v63  }
0x4b: {  	s21 =	sadd.s32 s22, s30;
	p1 =	sne.s32 s23, $0x0;
	_ =	swait.ge [sflag:s13], $0x10000  }
.Ltmp0:
0x4c: {  	s22 =	simm.s32 @!p0 $0x3;
	[sflag:s13] =	ssyncset.done $0x0;
	(pc) =	sbr.rel @!p1 .LBB2_2-.Ltmp0, $4  }
0x4d: {  	s25 =	simm.s32 @!p0 $0x10400;
	s24 =	simm.s32 @!p0 $0x0;
	[sflag:s13] =	ssyncadd.s32 $0xFFFF0000  }
0x4e: {  	[hbm4b:s21+s24] =	stream.linear.scatter @!p0 [tilespmem:s25], [sflag:$0x3], $0x4000, $0x38;
	[tilespmem:$0x14400] =	vst v63  }
0x4f: {  	_ =	swait.ge @!p0 [sflag:s22], $0x4000  }
0x50: {  	[sflag:s22] =	ssyncset.done @!p0 $0x0  }
.LBB2_1:
0x51: {  	s23 =	sadd.s32 $0xFFFFFFFF, s23;
	[sflag:s22] =	ssyncadd.s32 @!p0 $0xFFFFC000  }
0x52: {  	[tilespmem:s3], [sflag:$0x2] =	stream.linear.gather [hbm4b:s4+s3], $0x80, $0x38;
	[tilespmem:$0x14400] =	vst v63  }
0x53: {  	p1 =	sne.s32 s23, $0x0  }
0x54: {  	[tilespmem:s7], [sflag:$0x2] =	stream.linear.gather [hbm4b:s5+s3], $0x80, $0x38;
	[tilespmem:$0x14400] =	vst v63  }
0x55: {  	_ = 	snop  }
0x56: {  	[tilespmem:s8], [sflag:$0x2] =	stream.linear.gather [hbm4b:s6+s3], $0x80, $0x38;
	[tilespmem:$0x14400] =	vst v63  }
0x57: {  	_ = 	snop  }
0x58: {  	[tilespmem:s10], [sflag:$0x2] =	stream.linear.gather [hbm4b:s9+s3], $0x80, $0x38;
	[tilespmem:$0x14400] =	vst v63  }
0x59: {  	_ = 	snop  }
0x5a: {  	[tilespmem:s12], [sflag:$0x2] =	stream.linear.gather [hbm4b:s11+s3], $0x80, $0x38;
	[tilespmem:$0x14400] =	vst v63  }
0x5b: {  	_ =	swait.ge [sflag:s13], $0x80  }
0x5c: {  	[sflag:s13] =	ssyncset.done $0x0  }
0x5d: {  	[sflag:s13] =	ssyncadd.s32 $0xFFFFFF80  }
0x5e: {  	_ =	swait.ge [sflag:s13], $0x80  }
0x5f: {  	[sflag:s13] =	ssyncset.done $0x0  }
0x60: {  	[sflag:s13] =	ssyncadd.s32 $0xFFFFFF80  }
0x61: {  	_ =	swait.ge [sflag:s13], $0x80  }
0x62: {  	[sflag:s13] =	ssyncset.done $0x0  }
0x63: {  	[sflag:s13] =	ssyncadd.s32 $0xFFFFFF80  }
0x64: {  	_ =	swait.ge [sflag:s13], $0x80  }
0x65: {  	[sflag:s13] =	ssyncset.done $0x0  }
0x66: {  	[sflag:s13] =	ssyncadd.s32 $0xFFFFFF80  }
0x67: {  	_ =	swait.ge [sflag:s13], $0x80  }
0x68: {  	[sflag:s13] =	ssyncset.done $0x0  }
0x69: {  	[sflag:s13] =	ssyncadd.s32 $0xFFFFFF80  }
0x6a: {  	[tilespmem:s14], [sflag:$0x1] =	stream.indirect.gather [hbm4b:s2+s7], $0x80, s3, s7, $0xb8;
	[tilespmem:$0x14400] =	vst v63  }
0x6b: {  	_ = 	snop  }
0x6c: {  	[tilespmem:s15], [sflag:$0x1] =	stream.indirect.gather [hbm4b:s2+s7], $0x80, s7, s7, $0xb8;
	[tilespmem:$0x14400] =	vst v63  }
0x6d: {  	_ = 	snop  }
0x6e: {  	[tilespmem:s16], [sflag:$0x1] =	stream.indirect.gather [hbm4b:s2+s7], $0x80, s8, s7, $0xb8;
	[tilespmem:$0x14400] =	vst v63  }
0x6f: {  	_ = 	snop  }
0x70: {  	[tilespmem:s17], [sflag:$0x1] =	stream.indirect.gather [hbm4b:s2+s7], $0x80, s10, s7, $0xb8;
	[tilespmem:$0x14400] =	vst v63  }
0x71: {  	_ = 	snop  }
0x72: {  	[tilespmem:s18], [sflag:$0x1] =	stream.indirect.gather [hbm4b:s2+s7], $0x80, s12, s7, $0xb8;
	[tilespmem:$0x14400] =	vst v63  }
0x73: {  	_ =	swait.ge [sflag:s19], $0x4000  }
0x74: {  	[sflag:s19] =	ssyncset.done $0x0  }
0x75: {  	[sflag:s19] =	ssyncadd.s32 $0xFFFFC000  }
0x76: {  	_ =	swait.ge [sflag:s19], $0x4000  }
0x77: {  	[sflag:s19] =	ssyncset.done $0x0  }
0x78: {  	[sflag:s19] =	ssyncadd.s32 $0xFFFFC000  }
0x79: {  	_ =	swait.ge [sflag:s19], $0x4000  }
0x7a: {  	[sflag:s19] =	ssyncset.done $0x0  }
0x7b: {  	[sflag:s19] =	ssyncadd.s32 $0xFFFFC000  }
0x7c: {  	_ =	swait.ge [sflag:s19], $0x4000  }
0x7d: {  	[sflag:s19] =	ssyncset.done $0x0  }
0x7e: {  	[sflag:s19] =	ssyncadd.s32 $0xFFFFC000  }
0x7f: {  	_ =	swait.ge [sflag:s19], $0x4000  }
0x80: {  	[sflag:s19] =	ssyncset.done $0x0  }
0x81: {  	[sflag:s19] =	ssyncadd.s32 $0xFFFFC000  }
0x82: {  	[hbm4b:s20+s3] =	stream.linear.scatter [tilespmem:s14], [sflag:$0x2], $0x10000, $0x38;
	[tilespmem:$0x14400] =	vst v63  }
0x83: {  	_ =	swait.ge [sflag:s13], $0x10000  }
.Ltmp1:
0x84: {  	[sflag:s13] =	ssyncset.done $0x0;
	(pc) =	sbr.rel @p1 .LBB2_1-.Ltmp1, $4  }
0x85: {  	[sflag:s13] =	ssyncadd.s32 $0xFFFF0000  }
0x86: {  	[hbm4b:s21+s24] =	stream.linear.scatter @!p0 [tilespmem:s25], [sflag:$0x3], $0x4000, $0x38;
	[tilespmem:$0x14400] =	vst v63  }
0x87: {  	_ =	swait.ge @!p0 [sflag:s22], $0x4000  }
0x88: {  	[sflag:s22] =	ssyncset.done @!p0 $0x0  }
.LBB2_2:
0x89: {  	[sflag:s22] =	ssyncadd.s32 @!p0 $0xFFFFC000  }
0x8a: {  	_ =	sfence.sel $0x180000  }
0x8b: {  	[bflag:$0x0] =	sbarrier.arrive $0xFFFF  }
0x8c: {  	p0 =	sne.s32 s0, $0x0;
	_ =	strace $0x90000047  }
0x8d: {  	s0 =	sadd.s32 @!p0 $0x100000, s1;
	[bflag:$0x2] =	sbarrier.arrive $0xFFFF  }
0x8e: {  	[sflag:s0] =	ssyncadd.tile.s32 @!p0 $0x1;
	_ =	shalt  }
.Lfunc_end2:
_tile_overlayer_lowered:
.L_overlay_start_2:
0x8f: {  	(tag) =	ssettag $0x2  }
0x90: {  	s0 =	rddreg [dreg:$0x0];
	s2 =	stileid.u32  }
0x91: {  	s1 =	rddreg [dreg:$0x1];
	p0 =	sne.s32 s2, $0x0  }
0x92: {  	s3 =	rddreg [dreg:$0x2];
	[bflag:$0x3] =	sbarrier.arrive $0xFFFF;
	s2 =	simm.s32 @!p0 $0x1C03  }
0x93: {  	[timem:s3], [sflag:s2] =	dma.local @!p0 [hbm:s0], s1  }
0x94: {  	s0 =	simm.s32 @!p0 $0x3  }
0x95: {  	_ =	swait.ge @!p0 [sflag:s0], s1  }
0x96: {  	s1 =	ssub.s32 @!p0 $0x0, s1;
	[sflag:s0] =	ssyncset.done @!p0 $0x0  }
0x97: {  	[sflag:s0] =	ssyncadd.s32 @!p0 s1  }
0x98: {  	[bflag:$0x3] =	sbarrier.arrive $0xFFFF  }
0x99: {  	_ =	shalt  }

</sc_bundles>
